<compile_context>
chip_gen: v7x
topology: tpu7x:2x2x1
jax: 0.10.2.dev20260603
libtpu: 0.0.44.dev20260713+nightly
codegen_flags: <defaults>
</compile_context>

<pallas_src>
import functools

import jax
import jax.numpy as jnp
from jax import lax
from jax.experimental import pallas as pl
from jax.experimental.pallas import tpu as pltpu
from jax.experimental.pallas import tpu_sc as plsc

_NUM = 1000000
_RANK = 16
_OUT_DIM = 64
_B = 16384
_L = 50
_TOKENS = _B * _L

_info = plsc.get_sparse_core_info()
_NC = _info.num_cores
_NS = _info.num_subcores
_NW = _NC * _NS
_PER_W = _TOKENS // _NW
_CH = 128
_NCH = _PER_W // _CH
_K = 10
_RPB = _K * _CH
_ROUNDS = _NCH // _K
_PACK = 8
_PROWS = _TOKENS // _PACK


def _sc_gather(idx, table):
    mesh = plsc.VectorSubcoreMesh(core_axis_name="c", subcore_axis_name="s")
    fpr = _RPB * _RANK

    @functools.partial(
        pl.kernel,
        mesh=mesh,
        compiler_params=pltpu.CompilerParams(use_tc_tiling_on_sc=False),
        out_type=jax.ShapeDtypeStruct((_TOKENS * _RANK,), jnp.float32),
        scratch_types=[
            pltpu.VMEM((_NCH, _CH), jnp.int32),
            pltpu.VMEM((2, _RPB, _RANK), jnp.float32),
            pltpu.VMEM((2, fpr), jnp.float32),
            pltpu.SemaphoreType.DMA,
            pltpu.SemaphoreType.DMA,
            pltpu.SemaphoreType.DMA,
            pltpu.SemaphoreType.DMA,
        ],
    )
    def gather_kernel(idx_hbm, table_hbm, out_hbm, idx_v, rows2d, rows1d,
                      gsem0, gsem1, wsem0, wsem1):
        wid = lax.axis_index("s") * _NC + lax.axis_index("c")
        fbase = wid * _PER_W * _RANK
        pltpu.sync_copy(idx_hbm.at[wid], idx_v)
        gsems = (gsem0, gsem1)
        wsems = (wsem0, wsem1)

        def fire(r, buf):
            for b in range(_K):
                pltpu.async_copy(
                    table_hbm.at[idx_v.at[r * _K + b]],
                    rows2d.at[buf, pl.ds(b * _CH, _CH)],
                    gsems[buf],
                )

        fire(0, 0)

        def outer(o, carry):
            for buf in range(2):
                r = o * 2 + buf
                nbuf = 1 - buf

                @pl.when(r + 1 < _ROUNDS)
                def _():
                    fire(r + 1, nbuf)

                pltpu.make_async_copy(
                    table_hbm.at[pl.ds(0, _RPB)],
                    rows2d.at[buf],
                    gsems[buf],
                ).wait()

                @pl.when(o > 0)
                def _():
                    pltpu.make_async_copy(
                        rows1d.at[buf],
                        out_hbm.at[pl.ds(fbase, fpr)],
                        wsems[buf],
                    ).wait()

                def repack(k, c):
                    rows1d[buf, pl.ds(k * _RANK, _RANK)] = rows2d[buf, k]
                    return c

                lax.fori_loop(0, _RPB, repack, 0, unroll=8)

                pltpu.async_copy(
                    rows1d.at[buf],
                    out_hbm.at[pl.ds(fbase + r * fpr, fpr)],
                    wsems[buf],
                )
            return carry

        lax.fori_loop(0, _ROUNDS // 2, outer, 0, unroll=False)
        for buf in range(2):
            pltpu.make_async_copy(
                rows1d.at[buf],
                out_hbm.at[pl.ds(fbase, fpr)],
                wsems[buf],
            ).wait()

    return gather_kernel(idx, table)


_BM = 128


def _proj_block(e_ref, wb_ref, o_ref):
    o_ref[...] = jnp.dot(e_ref[...], wb_ref[...],
                         preferred_element_type=jnp.float32)


def _tc_project(packed, wbig):
    blk = 2048
    grid = _PROWS // blk
    ndim = _PACK * _OUT_DIM
    return pl.pallas_call(
        _proj_block,
        grid=(grid,),
        in_specs=[
            pl.BlockSpec((blk, _PACK * _RANK), lambda i: (i, 0)),
            pl.BlockSpec((_PACK * _RANK, ndim), lambda i: (0, 0)),
        ],
        out_specs=pl.BlockSpec((blk, ndim), lambda i: (i, 0)),
        out_shape=jax.ShapeDtypeStruct((_PROWS, ndim), jnp.float32),
    )(packed, wbig)


def kernel(src, emb_table, W):
    idx = src.reshape(_NW, _NCH, _CH)
    flat = _sc_gather(idx, emb_table)
    packed = flat.reshape(_PROWS, _PACK * _RANK)
    wt = W.T
    eye = jnp.eye(_PACK, dtype=jnp.float32)
    wbig = jnp.einsum('pq,ro->prqo', eye, wt).reshape(
        _PACK * _RANK, _PACK * _OUT_DIM)
    return _tc_project(packed, wbig).reshape(_B, _L, _OUT_DIM)

# --- scband reference (transcript-rebuilt; emitter-appended) ---
"""Pipeline reference for scband-svdembedding-31731218383115 (READ-ONLY COPY).

The authoritative reference and input builder live on the scoring server;
editing this copy changes nothing except your own understanding.
"""

import jax, jax.numpy as jnp
import numpy as np

NUM = 1000000
RANK = 16
OUT_DIM = 64
B = 16384
L = 50

def setup_inputs(seed: int = 0) -> dict:
    key = jax.random.key(seed)
    k_idx, k_emb, k_w = jax.random.split(key, 3)
    src = jax.random.randint(k_idx, (B, L), 0, NUM, dtype=jnp.int64 if jax.config.jax_enable_x64 else jnp.int32).astype(jnp.int32)
    # embedding table initialized like nn.init.normal_
    emb_table = jax.random.normal(k_emb, (NUM, RANK), dtype=jnp.float32)
    # linear weight [out_dim, rank], xavier_uniform-like
    limit = float(np.sqrt(6.0 / (RANK + OUT_DIM)))
    W = jax.random.uniform(k_w, (OUT_DIM, RANK), dtype=jnp.float32, minval=-limit, maxval=limit)
    return {"src": src, "emb_table": emb_table, "W": W}

def reference(src, emb_table, W):
    # embedding lookup: [B, L, RANK]
    emb = jnp.take(emb_table, src, axis=0)
    # linear (no bias): out = emb @ W.T -> [B, L, OUT_DIM]
    out = jnp.einsum('blr,or->blo', emb, W)
    return out

if __name__ == "__main__":
    import jax
    _d = setup_inputs()
    print(jax.jit(kernel)(*tuple(_d.values())))

</pallas_src>

<mosaic_0001>
#map = affine_map<(d0, d1) -> (0, 0, 0)>
#map1 = affine_map<(d0, d1) -> (0, 0)>
#map2 = affine_map<(d0, d1) -> (0)>
module attributes {stable_mosaic.version = 14 : i64} {
  func.func @gather_kernel(%arg0: i32, %arg1: i32, %arg2: memref<32x200x128xi32, #tpu.memory_space<hbm>>, %arg3: memref<1000000x16xf32, #tpu.memory_space<hbm>>, %arg4: memref<13107200xf32, #tpu.memory_space<hbm>>, %arg5: memref<200x128xi32, #tpu.memory_space<vmem>>, %arg6: memref<2x1280x16xf32, #tpu.memory_space<vmem>>, %arg7: memref<2x20480xf32, #tpu.memory_space<vmem>>, %arg8: memref<!tpu.dma_semaphore, #tpu.memory_space<semaphore_mem>>, %arg9: memref<!tpu.dma_semaphore, #tpu.memory_space<semaphore_mem>>, %arg10: memref<!tpu.dma_semaphore, #tpu.memory_space<semaphore_mem>>, %arg11: memref<!tpu.dma_semaphore, #tpu.memory_space<semaphore_mem>>) attributes {dimension_semantics = [#tpu.dimension_semantics<core_parallel>, #tpu.dimension_semantics<subcore_parallel>], iteration_bounds = array<i64: 2, 16>, scalar_prefetch = 0 : i64, scratch_operands = 7 : i64, tpu.core_type = #tpu.core_type<sc_vector_subcore>, window_params = [{transform_indices = #map}, {transform_indices = #map1}, {transform_indices = #map2}]} {
    %mul3A = arith.constant 2 : i32
    %mul3A_0 = arith.muli %arg1, %mul3A : i32
    %add3A = arith.addi %mul3A_0, %arg0 : i32
    %mul3A_1 = arith.constant 25600 : i32
    %mul3A_2 = arith.muli %add3A, %mul3A_1 : i32
    %mul3A_3 = arith.constant 16 : i32
    %mul3A_4 = arith.muli %mul3A_2, %mul3A_3 : i32
    "tpu.region"() ({
      %run_scoped3A = tpu.sem_alloc : memref<!tpu.dma_semaphore, #tpu.memory_space<semaphore_mem>>
      %dma_start3A_146 = arith.constant 0 : i32
      %dma_start3A_147 = arith.constant 0 : i32
      %dma_start3A_148 = tpu.memref_slice %arg2[%add3A, %dma_start3A_146, %dma_start3A_147] : memref<32x200x128xi32, #tpu.memory_space<hbm>> -> memref<1x200x128xi32, #tpu.memory_space<hbm>>
      %dma_start3A_149 = tpu.memref_squeeze %dma_start3A_148 : memref<1x200x128xi32, #tpu.memory_space<hbm>> -> memref<200x128xi32, #tpu.memory_space<hbm>>
      %dma_start3A_150 = arith.constant 0 : i32
      %dma_start3A_151 = arith.constant 0 : i32
      %dma_start3A_152 = tpu.memref_slice %arg2[%add3A, %dma_start3A_150, %dma_start3A_151] : memref<32x200x128xi32, #tpu.memory_space<hbm>> -> memref<1x200x128xi32, #tpu.memory_space<hbm>>
      %dma_start3A_153 = tpu.memref_squeeze %dma_start3A_152 : memref<1x200x128xi32, #tpu.memory_space<hbm>> -> memref<200x128xi32, #tpu.memory_space<hbm>>
      tpu.enqueue_dma source(%dma_start3A_153 : memref<200x128xi32, #tpu.memory_space<hbm>>) target(%arg5 : memref<200x128xi32, #tpu.memory_space<vmem>>) target_semaphore(%run_scoped3A : memref<!tpu.dma_semaphore, #tpu.memory_space<semaphore_mem>>)
      %dma_wait3A_154 = arith.constant 0 : i32
      %dma_wait3A_155 = arith.constant 0 : i32
      %dma_wait3A_156 = tpu.memref_slice %arg2[%add3A, %dma_wait3A_154, %dma_wait3A_155] : memref<32x200x128xi32, #tpu.memory_space<hbm>> -> memref<1x200x128xi32, #tpu.memory_space<hbm>>
      %dma_wait3A_157 = tpu.memref_squeeze %dma_wait3A_156 : memref<1x200x128xi32, #tpu.memory_space<hbm>> -> memref<200x128xi32, #tpu.memory_space<hbm>>
      %dma_wait3A_158 = arith.constant 0 : i32
      %dma_wait3A_159 = arith.constant 0 : i32
      %dma_wait3A_160 = tpu.memref_slice %arg2[%add3A, %dma_wait3A_158, %dma_wait3A_159] : memref<32x200x128xi32, #tpu.memory_space<hbm>> -> memref<1x200x128xi32, #tpu.memory_space<hbm>>
      %dma_wait3A_161 = tpu.memref_squeeze %dma_wait3A_160 : memref<1x200x128xi32, #tpu.memory_space<hbm>> -> memref<200x128xi32, #tpu.memory_space<hbm>>
      tpu.wait_dma2 semaphore(%run_scoped3A : memref<!tpu.dma_semaphore, #tpu.memory_space<semaphore_mem>>) src(%dma_wait3A_161 : memref<200x128xi32, #tpu.memory_space<hbm>>) dst(%arg5 : memref<200x128xi32, #tpu.memory_space<vmem>>)
      tpu.yield
    }) : () -> ()
    %dma_start3A = arith.constant 0 : i32
    %dma_start3A_5 = arith.constant 0 : i32
    %dma_start3A_6 = arith.constant 0 : i32
    %dma_start3A_7 = arith.constant 0 : i32
    %dma_start3A_8 = tpu.memref_slice %arg6[%dma_start3A_5, %dma_start3A_6, %dma_start3A_7] : memref<2x1280x16xf32, #tpu.memory_space<vmem>> -> memref<1x128x16xf32, #tpu.memory_space<vmem>>
    %dma_start3A_9 = tpu.memref_squeeze %dma_start3A_8 : memref<1x128x16xf32, #tpu.memory_space<vmem>> -> memref<128x16xf32, #tpu.memory_space<vmem>>
    %dma_start3A_10 = arith.constant 0 : i32
    %dma_start3A_11 = tpu.memref_slice %arg5[%dma_start3A, %dma_start3A_10] : memref<200x128xi32, #tpu.memory_space<vmem>> -> memref<1x128xi32, #tpu.memory_space<vmem>>
    %dma_start3A_12 = tpu.memref_squeeze %dma_start3A_11 : memref<1x128xi32, #tpu.memory_space<vmem>> -> memref<128xi32, #tpu.memory_space<vmem>>
    %dma_start3A_13 = arith.constant 0 : i32
    %dma_start3A_14 = arith.constant 0 : i32
    %dma_start3A_15 = tpu.memref_slice %arg3[%dma_start3A_13, %dma_start3A_14] : memref<1000000x16xf32, #tpu.memory_space<hbm>> -> memref<1000000x16xf32, #tpu.memory_space<hbm>>
    tpu.enqueue_indirect_dma source(%dma_start3A_15 : memref<1000000x16xf32, #tpu.memory_space<hbm>>) target(%dma_start3A_9 : memref<128x16xf32, #tpu.memory_space<vmem>>) offsets(%dma_start3A_12 : memref<128xi32, #tpu.memory_space<vmem>>) semaphore(%arg8 : memref<!tpu.dma_semaphore, #tpu.memory_space<semaphore_mem>>)
    %dma_start3A_16 = arith.constant 1 : i32
    %dma_start3A_17 = arith.constant 0 : i32
    %dma_start3A_18 = arith.constant 128 : i32
    %dma_start3A_19 = arith.constant 0 : i32
    %dma_start3A_20 = tpu.memref_slice %arg6[%dma_start3A_17, %dma_start3A_18, %dma_start3A_19] : memref<2x1280x16xf32, #tpu.memory_space<vmem>> -> memref<1x128x16xf32, #tpu.memory_space<vmem>>
    %dma_start3A_21 = tpu.memref_squeeze %dma_start3A_20 : memref<1x128x16xf32, #tpu.memory_space<vmem>> -> memref<128x16xf32, #tpu.memory_space<vmem>>
    %dma_start3A_22 = arith.constant 0 : i32
    %dma_start3A_23 = tpu.memref_slice %arg5[%dma_start3A_16, %dma_start3A_22] : memref<200x128xi32, #tpu.memory_space<vmem>> -> memref<1x128xi32, #tpu.memory_space<vmem>>
    %dma_start3A_24 = tpu.memref_squeeze %dma_start3A_23 : memref<1x128xi32, #tpu.memory_space<vmem>> -> memref<128xi32, #tpu.memory_space<vmem>>
    %dma_start3A_25 = arith.constant 0 : i32
    %dma_start3A_26 = arith.constant 0 : i32
    %dma_start3A_27 = tpu.memref_slice %arg3[%dma_start3A_25, %dma_start3A_26] : memref<1000000x16xf32, #tpu.memory_space<hbm>> -> memref<1000000x16xf32, #tpu.memory_space<hbm>>
    tpu.enqueue_indirect_dma source(%dma_start3A_27 : memref<1000000x16xf32, #tpu.memory_space<hbm>>) target(%dma_start3A_21 : memref<128x16xf32, #tpu.memory_space<vmem>>) offsets(%dma_start3A_24 : memref<128xi32, #tpu.memory_space<vmem>>) semaphore(%arg8 : memref<!tpu.dma_semaphore, #tpu.memory_space<semaphore_mem>>)
    %dma_start3A_28 = arith.constant 2 : i32
    %dma_start3A_29 = arith.constant 0 : i32
    %dma_start3A_30 = arith.constant 256 : i32
    %dma_start3A_31 = arith.constant 0 : i32
    %dma_start3A_32 = tpu.memref_slice %arg6[%dma_start3A_29, %dma_start3A_30, %dma_start3A_31] : memref<2x1280x16xf32, #tpu.memory_space<vmem>> -> memref<1x128x16xf32, #tpu.memory_space<vmem>>
    %dma_start3A_33 = tpu.memref_squeeze %dma_start3A_32 : memref<1x128x16xf32, #tpu.memory_space<vmem>> -> memref<128x16xf32, #tpu.memory_space<vmem>>
    %dma_start3A_34 = arith.constant 0 : i32
    %dma_start3A_35 = tpu.memref_slice %arg5[%dma_start3A_28, %dma_start3A_34] : memref<200x128xi32, #tpu.memory_space<vmem>> -> memref<1x128xi32, #tpu.memory_space<vmem>>
    %dma_start3A_36 = tpu.memref_squeeze %dma_start3A_35 : memref<1x128xi32, #tpu.memory_space<vmem>> -> memref<128xi32, #tpu.memory_space<vmem>>
    %dma_start3A_37 = arith.constant 0 : i32
    %dma_start3A_38 = arith.constant 0 : i32
    %dma_start3A_39 = tpu.memref_slice %arg3[%dma_start3A_37, %dma_start3A_38] : memref<1000000x16xf32, #tpu.memory_space<hbm>> -> memref<1000000x16xf32, #tpu.memory_space<hbm>>
    tpu.enqueue_indirect_dma source(%dma_start3A_39 : memref<1000000x16xf32, #tpu.memory_space<hbm>>) target(%dma_start3A_33 : memref<128x16xf32, #tpu.memory_space<vmem>>) offsets(%dma_start3A_36 : memref<128xi32, #tpu.memory_space<vmem>>) semaphore(%arg8 : memref<!tpu.dma_semaphore, #tpu.memory_space<semaphore_mem>>)
    %dma_start3A_40 = arith.constant 3 : i32
    %dma_start3A_41 = arith.constant 0 : i32
    %dma_start3A_42 = arith.constant 384 : i32
    %dma_start3A_43 = arith.constant 0 : i32
    %dma_start3A_44 = tpu.memref_slice %arg6[%dma_start3A_41, %dma_start3A_42, %dma_start3A_43] : memref<2x1280x16xf32, #tpu.memory_space<vmem>> -> memref<1x128x16xf32, #tpu.memory_space<vmem>>
    %dma_start3A_45 = tpu.memref_squeeze %dma_start3A_44 : memref<1x128x16xf32, #tpu.memory_space<vmem>> -> memref<128x16xf32, #tpu.memory_space<vmem>>
    %dma_start3A_46 = arith.constant 0 : i32
    %dma_start3A_47 = tpu.memref_slice %arg5[%dma_start3A_40, %dma_start3A_46] : memref<200x128xi32, #tpu.memory_space<vmem>> -> memref<1x128xi32, #tpu.memory_space<vmem>>
    %dma_start3A_48 = tpu.memref_squeeze %dma_start3A_47 : memref<1x128xi32, #tpu.memory_space<vmem>> -> memref<128xi32, #tpu.memory_space<vmem>>
    %dma_start3A_49 = arith.constant 0 : i32
    %dma_start3A_50 = arith.constant 0 : i32
    %dma_start3A_51 = tpu.memref_slice %arg3[%dma_start3A_49, %dma_start3A_50] : memref<1000000x16xf32, #tpu.memory_space<hbm>> -> memref<1000000x16xf32, #tpu.memory_space<hbm>>
    tpu.enqueue_indirect_dma source(%dma_start3A_51 : memref<1000000x16xf32, #tpu.memory_space<hbm>>) target(%dma_start3A_45 : memref<128x16xf32, #tpu.memory_space<vmem>>) offsets(%dma_start3A_48 : memref<128xi32, #tpu.memory_space<vmem>>) semaphore(%arg8 : memref<!tpu.dma_semaphore, #tpu.memory_space<semaphore_mem>>)
    %dma_start3A_52 = arith.constant 4 : i32
    %dma_start3A_53 = arith.constant 0 : i32
    %dma_start3A_54 = arith.constant 512 : i32
    %dma_start3A_55 = arith.constant 0 : i32
    %dma_start3A_56 = tpu.memref_slice %arg6[%dma_start3A_53, %dma_start3A_54, %dma_start3A_55] : memref<2x1280x16xf32, #tpu.memory_space<vmem>> -> memref<1x128x16xf32, #tpu.memory_space<vmem>>
    %dma_start3A_57 = tpu.memref_squeeze %dma_start3A_56 : memref<1x128x16xf32, #tpu.memory_space<vmem>> -> memref<128x16xf32, #tpu.memory_space<vmem>>
    %dma_start3A_58 = arith.constant 0 : i32
    %dma_start3A_59 = tpu.memref_slice %arg5[%dma_start3A_52, %dma_start3A_58] : memref<200x128xi32, #tpu.memory_space<vmem>> -> memref<1x128xi32, #tpu.memory_space<vmem>>
    %dma_start3A_60 = tpu.memref_squeeze %dma_start3A_59 : memref<1x128xi32, #tpu.memory_space<vmem>> -> memref<128xi32, #tpu.memory_space<vmem>>
    %dma_start3A_61 = arith.constant 0 : i32
    %dma_start3A_62 = arith.constant 0 : i32
    %dma_start3A_63 = tpu.memref_slice %arg3[%dma_start3A_61, %dma_start3A_62] : memref<1000000x16xf32, #tpu.memory_space<hbm>> -> memref<1000000x16xf32, #tpu.memory_space<hbm>>
    tpu.enqueue_indirect_dma source(%dma_start3A_63 : memref<1000000x16xf32, #tpu.memory_space<hbm>>) target(%dma_start3A_57 : memref<128x16xf32, #tpu.memory_space<vmem>>) offsets(%dma_start3A_60 : memref<128xi32, #tpu.memory_space<vmem>>) semaphore(%arg8 : memref<!tpu.dma_semaphore, #tpu.memory_space<semaphore_mem>>)
    %dma_start3A_64 = arith.constant 5 : i32
    %dma_start3A_65 = arith.constant 0 : i32
    %dma_start3A_66 = arith.constant 640 : i32
    %dma_start3A_67 = arith.constant 0 : i32
    %dma_start3A_68 = tpu.memref_slice %arg6[%dma_start3A_65, %dma_start3A_66, %dma_start3A_67] : memref<2x1280x16xf32, #tpu.memory_space<vmem>> -> memref<1x128x16xf32, #tpu.memory_space<vmem>>
    %dma_start3A_69 = tpu.memref_squeeze %dma_start3A_68 : memref<1x128x16xf32, #tpu.memory_space<vmem>> -> memref<128x16xf32, #tpu.memory_space<vmem>>
    %dma_start3A_70 = arith.constant 0 : i32
    %dma_start3A_71 = tpu.memref_slice %arg5[%dma_start3A_64, %dma_start3A_70] : memref<200x128xi32, #tpu.memory_space<vmem>> -> memref<1x128xi32, #tpu.memory_space<vmem>>
    %dma_start3A_72 = tpu.memref_squeeze %dma_start3A_71 : memref<1x128xi32, #tpu.memory_space<vmem>> -> memref<128xi32, #tpu.memory_space<vmem>>
    %dma_start3A_73 = arith.constant 0 : i32
    %dma_start3A_74 = arith.constant 0 : i32
    %dma_start3A_75 = tpu.memref_slice %arg3[%dma_start3A_73, %dma_start3A_74] : memref<1000000x16xf32, #tpu.memory_space<hbm>> -> memref<1000000x16xf32, #tpu.memory_space<hbm>>
    tpu.enqueue_indirect_dma source(%dma_start3A_75 : memref<1000000x16xf32, #tpu.memory_space<hbm>>) target(%dma_start3A_69 : memref<128x16xf32, #tpu.memory_space<vmem>>) offsets(%dma_start3A_72 : memref<128xi32, #tpu.memory_space<vmem>>) semaphore(%arg8 : memref<!tpu.dma_semaphore, #tpu.memory_space<semaphore_mem>>)
    %dma_start3A_76 = arith.constant 6 : i32
    %dma_start3A_77 = arith.constant 0 : i32
    %dma_start3A_78 = arith.constant 768 : i32
    %dma_start3A_79 = arith.constant 0 : i32
    %dma_start3A_80 = tpu.memref_slice %arg6[%dma_start3A_77, %dma_start3A_78, %dma_start3A_79] : memref<2x1280x16xf32, #tpu.memory_space<vmem>> -> memref<1x128x16xf32, #tpu.memory_space<vmem>>
    %dma_start3A_81 = tpu.memref_squeeze %dma_start3A_80 : memref<1x128x16xf32, #tpu.memory_space<vmem>> -> memref<128x16xf32, #tpu.memory_space<vmem>>
    %dma_start3A_82 = arith.constant 0 : i32
    %dma_start3A_83 = tpu.memref_slice %arg5[%dma_start3A_76, %dma_start3A_82] : memref<200x128xi32, #tpu.memory_space<vmem>> -> memref<1x128xi32, #tpu.memory_space<vmem>>
    %dma_start3A_84 = tpu.memref_squeeze %dma_start3A_83 : memref<1x128xi32, #tpu.memory_space<vmem>> -> memref<128xi32, #tpu.memory_space<vmem>>
    %dma_start3A_85 = arith.constant 0 : i32
    %dma_start3A_86 = arith.constant 0 : i32
    %dma_start3A_87 = tpu.memref_slice %arg3[%dma_start3A_85, %dma_start3A_86] : memref<1000000x16xf32, #tpu.memory_space<hbm>> -> memref<1000000x16xf32, #tpu.memory_space<hbm>>
    tpu.enqueue_indirect_dma source(%dma_start3A_87 : memref<1000000x16xf32, #tpu.memory_space<hbm>>) target(%dma_start3A_81 : memref<128x16xf32, #tpu.memory_space<vmem>>) offsets(%dma_start3A_84 : memref<128xi32, #tpu.memory_space<vmem>>) semaphore(%arg8 : memref<!tpu.dma_semaphore, #tpu.memory_space<semaphore_mem>>)
    %dma_start3A_88 = arith.constant 7 : i32
    %dma_start3A_89 = arith.constant 0 : i32
    %dma_start3A_90 = arith.constant 896 : i32
    %dma_start3A_91 = arith.constant 0 : i32
    %dma_start3A_92 = tpu.memref_slice %arg6[%dma_start3A_89, %dma_start3A_90, %dma_start3A_91] : memref<2x1280x16xf32, #tpu.memory_space<vmem>> -> memref<1x128x16xf32, #tpu.memory_space<vmem>>
    %dma_start3A_93 = tpu.memref_squeeze %dma_start3A_92 : memref<1x128x16xf32, #tpu.memory_space<vmem>> -> memref<128x16xf32, #tpu.memory_space<vmem>>
    %dma_start3A_94 = arith.constant 0 : i32
    %dma_start3A_95 = tpu.memref_slice %arg5[%dma_start3A_88, %dma_start3A_94] : memref<200x128xi32, #tpu.memory_space<vmem>> -> memref<1x128xi32, #tpu.memory_space<vmem>>
    %dma_start3A_96 = tpu.memref_squeeze %dma_start3A_95 : memref<1x128xi32, #tpu.memory_space<vmem>> -> memref<128xi32, #tpu.memory_space<vmem>>
    %dma_start3A_97 = arith.constant 0 : i32
    %dma_start3A_98 = arith.constant 0 : i32
    %dma_start3A_99 = tpu.memref_slice %arg3[%dma_start3A_97, %dma_start3A_98] : memref<1000000x16xf32, #tpu.memory_space<hbm>> -> memref<1000000x16xf32, #tpu.memory_space<hbm>>
    tpu.enqueue_indirect_dma source(%dma_start3A_99 : memref<1000000x16xf32, #tpu.memory_space<hbm>>) target(%dma_start3A_93 : memref<128x16xf32, #tpu.memory_space<vmem>>) offsets(%dma_start3A_96 : memref<128xi32, #tpu.memory_space<vmem>>) semaphore(%arg8 : memref<!tpu.dma_semaphore, #tpu.memory_space<semaphore_mem>>)
    %dma_start3A_100 = arith.constant 8 : i32
    %dma_start3A_101 = arith.constant 0 : i32
    %dma_start3A_102 = arith.constant 1024 : i32
    %dma_start3A_103 = arith.constant 0 : i32
    %dma_start3A_104 = tpu.memref_slice %arg6[%dma_start3A_101, %dma_start3A_102, %dma_start3A_103] : memref<2x1280x16xf32, #tpu.memory_space<vmem>> -> memref<1x128x16xf32, #tpu.memory_space<vmem>>
    %dma_start3A_105 = tpu.memref_squeeze %dma_start3A_104 : memref<1x128x16xf32, #tpu.memory_space<vmem>> -> memref<128x16xf32, #tpu.memory_space<vmem>>
    %dma_start3A_106 = arith.constant 0 : i32
    %dma_start3A_107 = tpu.memref_slice %arg5[%dma_start3A_100, %dma_start3A_106] : memref<200x128xi32, #tpu.memory_space<vmem>> -> memref<1x128xi32, #tpu.memory_space<vmem>>
    %dma_start3A_108 = tpu.memref_squeeze %dma_start3A_107 : memref<1x128xi32, #tpu.memory_space<vmem>> -> memref<128xi32, #tpu.memory_space<vmem>>
    %dma_start3A_109 = arith.constant 0 : i32
    %dma_start3A_110 = arith.constant 0 : i32
    %dma_start3A_111 = tpu.memref_slice %arg3[%dma_start3A_109, %dma_start3A_110] : memref<1000000x16xf32, #tpu.memory_space<hbm>> -> memref<1000000x16xf32, #tpu.memory_space<hbm>>
    tpu.enqueue_indirect_dma source(%dma_start3A_111 : memref<1000000x16xf32, #tpu.memory_space<hbm>>) target(%dma_start3A_105 : memref<128x16xf32, #tpu.memory_space<vmem>>) offsets(%dma_start3A_108 : memref<128xi32, #tpu.memory_space<vmem>>) semaphore(%arg8 : memref<!tpu.dma_semaphore, #tpu.memory_space<semaphore_mem>>)
    %dma_start3A_112 = arith.constant 9 : i32
    %dma_start3A_113 = arith.constant 0 : i32
    %dma_start3A_114 = arith.constant 1152 : i32
    %dma_start3A_115 = arith.constant 0 : i32
    %dma_start3A_116 = tpu.memref_slice %arg6[%dma_start3A_113, %dma_start3A_114, %dma_start3A_115] : memref<2x1280x16xf32, #tpu.memory_space<vmem>> -> memref<1x128x16xf32, #tpu.memory_space<vmem>>
    %dma_start3A_117 = tpu.memref_squeeze %dma_start3A_116 : memref<1x128x16xf32, #tpu.memory_space<vmem>> -> memref<128x16xf32, #tpu.memory_space<vmem>>
    %dma_start3A_118 = arith.constant 0 : i32
    %dma_start3A_119 = tpu.memref_slice %arg5[%dma_start3A_112, %dma_start3A_118] : memref<200x128xi32, #tpu.memory_space<vmem>> -> memref<1x128xi32, #tpu.memory_space<vmem>>
    %dma_start3A_120 = tpu.memref_squeeze %dma_start3A_119 : memref<1x128xi32, #tpu.memory_space<vmem>> -> memref<128xi32, #tpu.memory_space<vmem>>
    %dma_start3A_121 = arith.constant 0 : i32
    %dma_start3A_122 = arith.constant 0 : i32
    %dma_start3A_123 = tpu.memref_slice %arg3[%dma_start3A_121, %dma_start3A_122] : memref<1000000x16xf32, #tpu.memory_space<hbm>> -> memref<1000000x16xf32, #tpu.memory_space<hbm>>
    tpu.enqueue_indirect_dma source(%dma_start3A_123 : memref<1000000x16xf32, #tpu.memory_space<hbm>>) target(%dma_start3A_117 : memref<128x16xf32, #tpu.memory_space<vmem>>) offsets(%dma_start3A_120 : memref<128xi32, #tpu.memory_space<vmem>>) semaphore(%arg8 : memref<!tpu.dma_semaphore, #tpu.memory_space<semaphore_mem>>)
    %scan3A = arith.constant 0 : i32
    %scan3A_124 = arith.constant 0 : i32
    %scan3A_125 = arith.constant 10 : i32
    %scan3A_126 = arith.addi %scan3A_124, %scan3A_125 : i32
    %scan3A_127 = arith.constant 1 : i32
    scf.for %scan3A_146 = %scan3A_124 to %scan3A_126 step %scan3A_127  : i32 {
      %mul3A_147 = arith.constant 2 : i32
      %mul3A_148 = arith.muli %scan3A_146, %mul3A_147 : i32
      %add3A_149 = arith.constant 0 : i32
      %add3A_150 = arith.addi %mul3A_148, %add3A_149 : i32
      %add3A_151 = arith.constant 1 : i32
      %add3A_152 = arith.addi %add3A_150, %add3A_151 : i32
      %lt3A = arith.constant 20 : i32
      %lt3A_153 = arith.cmpi slt, %add3A_152, %lt3A : i32
      %convert_element_type3A = arith.extui %lt3A_153 : i1 to i32
      %cond3A = arith.constant 0 : i32
      %cond3A_154 = arith.cmpi ne, %convert_element_type3A, %cond3A : i32
      scf.if %cond3A_154 {
        %add3A_241 = arith.constant 1 : i32
        %add3A_242 = arith.addi %add3A_150, %add3A_241 : i32
        %mul3A_243 = arith.constant 10 : i32
        %mul3A_244 = arith.muli %add3A_242, %mul3A_243 : i32
        %add3A_245 = arith.constant 0 : i32
        %add3A_246 = arith.addi %mul3A_244, %add3A_245 : i32
        %dma_start3A_247 = arith.constant 1 : i32
        %dma_start3A_248 = arith.constant 0 : i32
        %dma_start3A_249 = arith.constant 0 : i32
        %dma_start3A_250 = tpu.memref_slice %arg6[%dma_start3A_247, %dma_start3A_248, %dma_start3A_249] : memref<2x1280x16xf32, #tpu.memory_space<vmem>> -> memref<1x128x16xf32, #tpu.memory_space<vmem>>
        %dma_start3A_251 = tpu.memref_squeeze %dma_start3A_250 : memref<1x128x16xf32, #tpu.memory_space<vmem>> -> memref<128x16xf32, #tpu.memory_space<vmem>>
        %dma_start3A_252 = arith.constant 0 : i32
        %dma_start3A_253 = tpu.memref_slice %arg5[%add3A_246, %dma_start3A_252] : memref<200x128xi32, #tpu.memory_space<vmem>> -> memref<1x128xi32, #tpu.memory_space<vmem>>
        %dma_start3A_254 = tpu.memref_squeeze %dma_start3A_253 : memref<1x128xi32, #tpu.memory_space<vmem>> -> memref<128xi32, #tpu.memory_space<vmem>>
        %dma_start3A_255 = arith.constant 0 : i32
        %dma_start3A_256 = arith.constant 0 : i32
        %dma_start3A_257 = tpu.memref_slice %arg3[%dma_start3A_255, %dma_start3A_256] : memref<1000000x16xf32, #tpu.memory_space<hbm>> -> memref<1000000x16xf32, #tpu.memory_space<hbm>>
        tpu.enqueue_indirect_dma source(%dma_start3A_257 : memref<1000000x16xf32, #tpu.memory_space<hbm>>) target(%dma_start3A_251 : memref<128x16xf32, #tpu.memory_space<vmem>>) offsets(%dma_start3A_254 : memref<128xi32, #tpu.memory_space<vmem>>) semaphore(%arg9 : memref<!tpu.dma_semaphore, #tpu.memory_space<semaphore_mem>>)
        %mul3A_258 = arith.constant 10 : i32
        %mul3A_259 = arith.muli %add3A_242, %mul3A_258 : i32
        %add3A_260 = arith.constant 1 : i32
        %add3A_261 = arith.addi %mul3A_259, %add3A_260 : i32
        %dma_start3A_262 = arith.constant 1 : i32
        %dma_start3A_263 = arith.constant 128 : i32
        %dma_start3A_264 = arith.constant 0 : i32
        %dma_start3A_265 = tpu.memref_slice %arg6[%dma_start3A_262, %dma_start3A_263, %dma_start3A_264] : memref<2x1280x16xf32, #tpu.memory_space<vmem>> -> memref<1x128x16xf32, #tpu.memory_space<vmem>>
        %dma_start3A_266 = tpu.memref_squeeze %dma_start3A_265 : memref<1x128x16xf32, #tpu.memory_space<vmem>> -> memref<128x16xf32, #tpu.memory_space<vmem>>
        %dma_start3A_267 = arith.constant 0 : i32
        %dma_start3A_268 = tpu.memref_slice %arg5[%add3A_261, %dma_start3A_267] : memref<200x128xi32, #tpu.memory_space<vmem>> -> memref<1x128xi32, #tpu.memory_space<vmem>>
        %dma_start3A_269 = tpu.memref_squeeze %dma_start3A_268 : memref<1x128xi32, #tpu.memory_space<vmem>> -> memref<128xi32, #tpu.memory_space<vmem>>
        %dma_start3A_270 = arith.constant 0 : i32
        %dma_start3A_271 = arith.constant 0 : i32
        %dma_start3A_272 = tpu.memref_slice %arg3[%dma_start3A_270, %dma_start3A_271] : memref<1000000x16xf32, #tpu.memory_space<hbm>> -> memref<1000000x16xf32, #tpu.memory_space<hbm>>
        tpu.enqueue_indirect_dma source(%dma_start3A_272 : memref<1000000x16xf32, #tpu.memory_space<hbm>>) target(%dma_start3A_266 : memref<128x16xf32, #tpu.memory_space<vmem>>) offsets(%dma_start3A_269 : memref<128xi32, #tpu.memory_space<vmem>>) semaphore(%arg9 : memref<!tpu.dma_semaphore, #tpu.memory_space<semaphore_mem>>)
        %mul3A_273 = arith.constant 10 : i32
        %mul3A_274 = arith.muli %add3A_242, %mul3A_273 : i32
        %add3A_275 = arith.constant 2 : i32
        %add3A_276 = arith.addi %mul3A_274, %add3A_275 : i32
        %dma_start3A_277 = arith.constant 1 : i32
        %dma_start3A_278 = arith.constant 256 : i32
        %dma_start3A_279 = arith.constant 0 : i32
        %dma_start3A_280 = tpu.memref_slice %arg6[%dma_start3A_277, %dma_start3A_278, %dma_start3A_279] : memref<2x1280x16xf32, #tpu.memory_space<vmem>> -> memref<1x128x16xf32, #tpu.memory_space<vmem>>
        %dma_start3A_281 = tpu.memref_squeeze %dma_start3A_280 : memref<1x128x16xf32, #tpu.memory_space<vmem>> -> memref<128x16xf32, #tpu.memory_space<vmem>>
        %dma_start3A_282 = arith.constant 0 : i32
        %dma_start3A_283 = tpu.memref_slice %arg5[%add3A_276, %dma_start3A_282] : memref<200x128xi32, #tpu.memory_space<vmem>> -> memref<1x128xi32, #tpu.memory_space<vmem>>
        %dma_start3A_284 = tpu.memref_squeeze %dma_start3A_283 : memref<1x128xi32, #tpu.memory_space<vmem>> -> memref<128xi32, #tpu.memory_space<vmem>>
        %dma_start3A_285 = arith.constant 0 : i32
        %dma_start3A_286 = arith.constant 0 : i32
        %dma_start3A_287 = tpu.memref_slice %arg3[%dma_start3A_285, %dma_start3A_286] : memref<1000000x16xf32, #tpu.memory_space<hbm>> -> memref<1000000x16xf32, #tpu.memory_space<hbm>>
        tpu.enqueue_indirect_dma source(%dma_start3A_287 : memref<1000000x16xf32, #tpu.memory_space<hbm>>) target(%dma_start3A_281 : memref<128x16xf32, #tpu.memory_space<vmem>>) offsets(%dma_start3A_284 : memref<128xi32, #tpu.memory_space<vmem>>) semaphore(%arg9 : memref<!tpu.dma_semaphore, #tpu.memory_space<semaphore_mem>>)
        %mul3A_288 = arith.constant 10 : i32
        %mul3A_289 = arith.muli %add3A_242, %mul3A_288 : i32
        %add3A_290 = arith.constant 3 : i32
        %add3A_291 = arith.addi %mul3A_289, %add3A_290 : i32
        %dma_start3A_292 = arith.constant 1 : i32
        %dma_start3A_293 = arith.constant 384 : i32
        %dma_start3A_294 = arith.constant 0 : i32
        %dma_start3A_295 = tpu.memref_slice %arg6[%dma_start3A_292, %dma_start3A_293, %dma_start3A_294] : memref<2x1280x16xf32, #tpu.memory_space<vmem>> -> memref<1x128x16xf32, #tpu.memory_space<vmem>>
        %dma_start3A_296 = tpu.memref_squeeze %dma_start3A_295 : memref<1x128x16xf32, #tpu.memory_space<vmem>> -> memref<128x16xf32, #tpu.memory_space<vmem>>
        %dma_start3A_297 = arith.constant 0 : i32
        %dma_start3A_298 = tpu.memref_slice %arg5[%add3A_291, %dma_start3A_297] : memref<200x128xi32, #tpu.memory_space<vmem>> -> memref<1x128xi32, #tpu.memory_space<vmem>>
        %dma_start3A_299 = tpu.memref_squeeze %dma_start3A_298 : memref<1x128xi32, #tpu.memory_space<vmem>> -> memref<128xi32, #tpu.memory_space<vmem>>
        %dma_start3A_300 = arith.constant 0 : i32
        %dma_start3A_301 = arith.constant 0 : i32
        %dma_start3A_302 = tpu.memref_slice %arg3[%dma_start3A_300, %dma_start3A_301] : memref<1000000x16xf32, #tpu.memory_space<hbm>> -> memref<1000000x16xf32, #tpu.memory_space<hbm>>
        tpu.enqueue_indirect_dma source(%dma_start3A_302 : memref<1000000x16xf32, #tpu.memory_space<hbm>>) target(%dma_start3A_296 : memref<128x16xf32, #tpu.memory_space<vmem>>) offsets(%dma_start3A_299 : memref<128xi32, #tpu.memory_space<vmem>>) semaphore(%arg9 : memref<!tpu.dma_semaphore, #tpu.memory_space<semaphore_mem>>)
        %mul3A_303 = arith.constant 10 : i32
        %mul3A_304 = arith.muli %add3A_242, %mul3A_303 : i32
        %add3A_305 = arith.constant 4 : i32
        %add3A_306 = arith.addi %mul3A_304, %add3A_305 : i32
        %dma_start3A_307 = arith.constant 1 : i32
        %dma_start3A_308 = arith.constant 512 : i32
        %dma_start3A_309 = arith.constant 0 : i32
        %dma_start3A_310 = tpu.memref_slice %arg6[%dma_start3A_307, %dma_start3A_308, %dma_start3A_309] : memref<2x1280x16xf32, #tpu.memory_space<vmem>> -> memref<1x128x16xf32, #tpu.memory_space<vmem>>
        %dma_start3A_311 = tpu.memref_squeeze %dma_start3A_310 : memref<1x128x16xf32, #tpu.memory_space<vmem>> -> memref<128x16xf32, #tpu.memory_space<vmem>>
        %dma_start3A_312 = arith.constant 0 : i32
        %dma_start3A_313 = tpu.memref_slice %arg5[%add3A_306, %dma_start3A_312] : memref<200x128xi32, #tpu.memory_space<vmem>> -> memref<1x128xi32, #tpu.memory_space<vmem>>
        %dma_start3A_314 = tpu.memref_squeeze %dma_start3A_313 : memref<1x128xi32, #tpu.memory_space<vmem>> -> memref<128xi32, #tpu.memory_space<vmem>>
        %dma_start3A_315 = arith.constant 0 : i32
        %dma_start3A_316 = arith.constant 0 : i32
        %dma_start3A_317 = tpu.memref_slice %arg3[%dma_start3A_315, %dma_start3A_316] : memref<1000000x16xf32, #tpu.memory_space<hbm>> -> memref<1000000x16xf32, #tpu.memory_space<hbm>>
        tpu.enqueue_indirect_dma source(%dma_start3A_317 : memref<1000000x16xf32, #tpu.memory_space<hbm>>) target(%dma_start3A_311 : memref<128x16xf32, #tpu.memory_space<vmem>>) offsets(%dma_start3A_314 : memref<128xi32, #tpu.memory_space<vmem>>) semaphore(%arg9 : memref<!tpu.dma_semaphore, #tpu.memory_space<semaphore_mem>>)
        %mul3A_318 = arith.constant 10 : i32
        %mul3A_319 = arith.muli %add3A_242, %mul3A_318 : i32
        %add3A_320 = arith.constant 5 : i32
        %add3A_321 = arith.addi %mul3A_319, %add3A_320 : i32
        %dma_start3A_322 = arith.constant 1 : i32
        %dma_start3A_323 = arith.constant 640 : i32
        %dma_start3A_324 = arith.constant 0 : i32
        %dma_start3A_325 = tpu.memref_slice %arg6[%dma_start3A_322, %dma_start3A_323, %dma_start3A_324] : memref<2x1280x16xf32, #tpu.memory_space<vmem>> -> memref<1x128x16xf32, #tpu.memory_space<vmem>>
        %dma_start3A_326 = tpu.memref_squeeze %dma_start3A_325 : memref<1x128x16xf32, #tpu.memory_space<vmem>> -> memref<128x16xf32, #tpu.memory_space<vmem>>
        %dma_start3A_327 = arith.constant 0 : i32
        %dma_start3A_328 = tpu.memref_slice %arg5[%add3A_321, %dma_start3A_327] : memref<200x128xi32, #tpu.memory_space<vmem>> -> memref<1x128xi32, #tpu.memory_space<vmem>>
        %dma_start3A_329 = tpu.memref_squeeze %dma_start3A_328 : memref<1x128xi32, #tpu.memory_space<vmem>> -> memref<128xi32, #tpu.memory_space<vmem>>
        %dma_start3A_330 = arith.constant 0 : i32
        %dma_start3A_331 = arith.constant 0 : i32
        %dma_start3A_332 = tpu.memref_slice %arg3[%dma_start3A_330, %dma_start3A_331] : memref<1000000x16xf32, #tpu.memory_space<hbm>> -> memref<1000000x16xf32, #tpu.memory_space<hbm>>
        tpu.enqueue_indirect_dma source(%dma_start3A_332 : memref<1000000x16xf32, #tpu.memory_space<hbm>>) target(%dma_start3A_326 : memref<128x16xf32, #tpu.memory_space<vmem>>) offsets(%dma_start3A_329 : memref<128xi32, #tpu.memory_space<vmem>>) semaphore(%arg9 : memref<!tpu.dma_semaphore, #tpu.memory_space<semaphore_mem>>)
        %mul3A_333 = arith.constant 10 : i32
        %mul3A_334 = arith.muli %add3A_242, %mul3A_333 : i32
        %add3A_335 = arith.constant 6 : i32
        %add3A_336 = arith.addi %mul3A_334, %add3A_335 : i32
        %dma_start3A_337 = arith.constant 1 : i32
        %dma_start3A_338 = arith.constant 768 : i32
        %dma_start3A_339 = arith.constant 0 : i32
        %dma_start3A_340 = tpu.memref_slice %arg6[%dma_start3A_337, %dma_start3A_338, %dma_start3A_339] : memref<2x1280x16xf32, #tpu.memory_space<vmem>> -> memref<1x128x16xf32, #tpu.memory_space<vmem>>
        %dma_start3A_341 = tpu.memref_squeeze %dma_start3A_340 : memref<1x128x16xf32, #tpu.memory_space<vmem>> -> memref<128x16xf32, #tpu.memory_space<vmem>>
        %dma_start3A_342 = arith.constant 0 : i32
        %dma_start3A_343 = tpu.memref_slice %arg5[%add3A_336, %dma_start3A_342] : memref<200x128xi32, #tpu.memory_space<vmem>> -> memref<1x128xi32, #tpu.memory_space<vmem>>
        %dma_start3A_344 = tpu.memref_squeeze %dma_start3A_343 : memref<1x128xi32, #tpu.memory_space<vmem>> -> memref<128xi32, #tpu.memory_space<vmem>>
        %dma_start3A_345 = arith.constant 0 : i32
        %dma_start3A_346 = arith.constant 0 : i32
        %dma_start3A_347 = tpu.memref_slice %arg3[%dma_start3A_345, %dma_start3A_346] : memref<1000000x16xf32, #tpu.memory_space<hbm>> -> memref<1000000x16xf32, #tpu.memory_space<hbm>>
        tpu.enqueue_indirect_dma source(%dma_start3A_347 : memref<1000000x16xf32, #tpu.memory_space<hbm>>) target(%dma_start3A_341 : memref<128x16xf32, #tpu.memory_space<vmem>>) offsets(%dma_start3A_344 : memref<128xi32, #tpu.memory_space<vmem>>) semaphore(%arg9 : memref<!tpu.dma_semaphore, #tpu.memory_space<semaphore_mem>>)
        %mul3A_348 = arith.constant 10 : i32
        %mul3A_349 = arith.muli %add3A_242, %mul3A_348 : i32
        %add3A_350 = arith.constant 7 : i32
        %add3A_351 = arith.addi %mul3A_349, %add3A_350 : i32
        %dma_start3A_352 = arith.constant 1 : i32
        %dma_start3A_353 = arith.constant 896 : i32
        %dma_start3A_354 = arith.constant 0 : i32
        %dma_start3A_355 = tpu.memref_slice %arg6[%dma_start3A_352, %dma_start3A_353, %dma_start3A_354] : memref<2x1280x16xf32, #tpu.memory_space<vmem>> -> memref<1x128x16xf32, #tpu.memory_space<vmem>>
        %dma_start3A_356 = tpu.memref_squeeze %dma_start3A_355 : memref<1x128x16xf32, #tpu.memory_space<vmem>> -> memref<128x16xf32, #tpu.memory_space<vmem>>
        %dma_start3A_357 = arith.constant 0 : i32
        %dma_start3A_358 = tpu.memref_slice %arg5[%add3A_351, %dma_start3A_357] : memref<200x128xi32, #tpu.memory_space<vmem>> -> memref<1x128xi32, #tpu.memory_space<vmem>>
        %dma_start3A_359 = tpu.memref_squeeze %dma_start3A_358 : memref<1x128xi32, #tpu.memory_space<vmem>> -> memref<128xi32, #tpu.memory_space<vmem>>
        %dma_start3A_360 = arith.constant 0 : i32
        %dma_start3A_361 = arith.constant 0 : i32
        %dma_start3A_362 = tpu.memref_slice %arg3[%dma_start3A_360, %dma_start3A_361] : memref<1000000x16xf32, #tpu.memory_space<hbm>> -> memref<1000000x16xf32, #tpu.memory_space<hbm>>
        tpu.enqueue_indirect_dma source(%dma_start3A_362 : memref<1000000x16xf32, #tpu.memory_space<hbm>>) target(%dma_start3A_356 : memref<128x16xf32, #tpu.memory_space<vmem>>) offsets(%dma_start3A_359 : memref<128xi32, #tpu.memory_space<vmem>>) semaphore(%arg9 : memref<!tpu.dma_semaphore, #tpu.memory_space<semaphore_mem>>)
        %mul3A_363 = arith.constant 10 : i32
        %mul3A_364 = arith.muli %add3A_242, %mul3A_363 : i32
        %add3A_365 = arith.constant 8 : i32
        %add3A_366 = arith.addi %mul3A_364, %add3A_365 : i32
        %dma_start3A_367 = arith.constant 1 : i32
        %dma_start3A_368 = arith.constant 1024 : i32
        %dma_start3A_369 = arith.constant 0 : i32
        %dma_start3A_370 = tpu.memref_slice %arg6[%dma_start3A_367, %dma_start3A_368, %dma_start3A_369] : memref<2x1280x16xf32, #tpu.memory_space<vmem>> -> memref<1x128x16xf32, #tpu.memory_space<vmem>>
        %dma_start3A_371 = tpu.memref_squeeze %dma_start3A_370 : memref<1x128x16xf32, #tpu.memory_space<vmem>> -> memref<128x16xf32, #tpu.memory_space<vmem>>
        %dma_start3A_372 = arith.constant 0 : i32
        %dma_start3A_373 = tpu.memref_slice %arg5[%add3A_366, %dma_start3A_372] : memref<200x128xi32, #tpu.memory_space<vmem>> -> memref<1x128xi32, #tpu.memory_space<vmem>>
        %dma_start3A_374 = tpu.memref_squeeze %dma_start3A_373 : memref<1x128xi32, #tpu.memory_space<vmem>> -> memref<128xi32, #tpu.memory_space<vmem>>
        %dma_start3A_375 = arith.constant 0 : i32
        %dma_start3A_376 = arith.constant 0 : i32
        %dma_start3A_377 = tpu.memref_slice %arg3[%dma_start3A_375, %dma_start3A_376] : memref<1000000x16xf32, #tpu.memory_space<hbm>> -> memref<1000000x16xf32, #tpu.memory_space<hbm>>
        tpu.enqueue_indirect_dma source(%dma_start3A_377 : memref<1000000x16xf32, #tpu.memory_space<hbm>>) target(%dma_start3A_371 : memref<128x16xf32, #tpu.memory_space<vmem>>) offsets(%dma_start3A_374 : memref<128xi32, #tpu.memory_space<vmem>>) semaphore(%arg9 : memref<!tpu.dma_semaphore, #tpu.memory_space<semaphore_mem>>)
        %mul3A_378 = arith.constant 10 : i32
        %mul3A_379 = arith.muli %add3A_242, %mul3A_378 : i32
        %add3A_380 = arith.constant 9 : i32
        %add3A_381 = arith.addi %mul3A_379, %add3A_380 : i32
        %dma_start3A_382 = arith.constant 1 : i32
        %dma_start3A_383 = arith.constant 1152 : i32
        %dma_start3A_384 = arith.constant 0 : i32
        %dma_start3A_385 = tpu.memref_slice %arg6[%dma_start3A_382, %dma_start3A_383, %dma_start3A_384] : memref<2x1280x16xf32, #tpu.memory_space<vmem>> -> memref<1x128x16xf32, #tpu.memory_space<vmem>>
        %dma_start3A_386 = tpu.memref_squeeze %dma_start3A_385 : memref<1x128x16xf32, #tpu.memory_space<vmem>> -> memref<128x16xf32, #tpu.memory_space<vmem>>
        %dma_start3A_387 = arith.constant 0 : i32
        %dma_start3A_388 = tpu.memref_slice %arg5[%add3A_381, %dma_start3A_387] : memref<200x128xi32, #tpu.memory_space<vmem>> -> memref<1x128xi32, #tpu.memory_space<vmem>>
        %dma_start3A_389 = tpu.memref_squeeze %dma_start3A_388 : memref<1x128xi32, #tpu.memory_space<vmem>> -> memref<128xi32, #tpu.memory_space<vmem>>
        %dma_start3A_390 = arith.constant 0 : i32
        %dma_start3A_391 = arith.constant 0 : i32
        %dma_start3A_392 = tpu.memref_slice %arg3[%dma_start3A_390, %dma_start3A_391] : memref<1000000x16xf32, #tpu.memory_space<hbm>> -> memref<1000000x16xf32, #tpu.memory_space<hbm>>
        tpu.enqueue_indirect_dma source(%dma_start3A_392 : memref<1000000x16xf32, #tpu.memory_space<hbm>>) target(%dma_start3A_386 : memref<128x16xf32, #tpu.memory_space<vmem>>) offsets(%dma_start3A_389 : memref<128xi32, #tpu.memory_space<vmem>>) semaphore(%arg9 : memref<!tpu.dma_semaphore, #tpu.memory_space<semaphore_mem>>)
      } else {
      }
      %dma_wait3A_155 = arith.constant 0 : i32
      %dma_wait3A_156 = arith.constant 0 : i32
      %dma_wait3A_157 = arith.constant 0 : i32
      %dma_wait3A_158 = tpu.memref_slice %arg6[%dma_wait3A_155, %dma_wait3A_156, %dma_wait3A_157] : memref<2x1280x16xf32, #tpu.memory_space<vmem>> -> memref<1x1280x16xf32, #tpu.memory_space<vmem>>
      %dma_wait3A_159 = tpu.memref_squeeze %dma_wait3A_158 : memref<1x1280x16xf32, #tpu.memory_space<vmem>> -> memref<1280x16xf32, #tpu.memory_space<vmem>>
      %dma_wait3A_160 = arith.constant 0 : i32
      %dma_wait3A_161 = arith.constant 0 : i32
      %dma_wait3A_162 = tpu.memref_slice %arg3[%dma_wait3A_160, %dma_wait3A_161] : memref<1000000x16xf32, #tpu.memory_space<hbm>> -> memref<1280x16xf32, #tpu.memory_space<hbm>>
      %dma_wait3A_163 = arith.constant 0 : i32
      %dma_wait3A_164 = arith.constant 0 : i32
      %dma_wait3A_165 = tpu.memref_slice %arg6[%dma_wait3A_155, %dma_wait3A_163, %dma_wait3A_164] : memref<2x1280x16xf32, #tpu.memory_space<vmem>> -> memref<1x1280x16xf32, #tpu.memory_space<vmem>>
      %dma_wait3A_166 = tpu.memref_squeeze %dma_wait3A_165 : memref<1x1280x16xf32, #tpu.memory_space<vmem>> -> memref<1280x16xf32, #tpu.memory_space<vmem>>
      %dma_wait3A_167 = arith.constant 0 : i32
      %dma_wait3A_168 = arith.constant 0 : i32
      %dma_wait3A_169 = tpu.memref_slice %arg3[%dma_wait3A_167, %dma_wait3A_168] : memref<1000000x16xf32, #tpu.memory_space<hbm>> -> memref<1280x16xf32, #tpu.memory_space<hbm>>
      tpu.wait_dma2 semaphore(%arg8 : memref<!tpu.dma_semaphore, #tpu.memory_space<semaphore_mem>>) src(%dma_wait3A_169 : memref<1280x16xf32, #tpu.memory_space<hbm>>) dst(%dma_wait3A_166 : memref<1280x16xf32, #tpu.memory_space<vmem>>)
      %gt3A = arith.constant 0 : i32
      %gt3A_170 = arith.cmpi sgt, %scan3A_146, %gt3A : i32
      %convert_element_type3A_171 = arith.extui %gt3A_170 : i1 to i32
      %cond3A_172 = arith.constant 0 : i32
      %cond3A_173 = arith.cmpi ne, %convert_element_type3A_171, %cond3A_172 : i32
      scf.if %cond3A_173 {
        %dma_wait3A_241 = arith.constant 0 : i32
        %dma_wait3A_242 = arith.constant 0 : i32
        %dma_wait3A_243 = tpu.memref_slice %arg7[%dma_wait3A_241, %dma_wait3A_242] : memref<2x20480xf32, #tpu.memory_space<vmem>> -> memref<1x20480xf32, #tpu.memory_space<vmem>>
        %dma_wait3A_244 = tpu.memref_squeeze %dma_wait3A_243 : memref<1x20480xf32, #tpu.memory_space<vmem>> -> memref<20480xf32, #tpu.memory_space<vmem>>
        %dma_wait3A_245 = tpu.memref_slice %arg4[%mul3A_4] : memref<13107200xf32, #tpu.memory_space<hbm>> -> memref<20480xf32, #tpu.memory_space<hbm>>
        %dma_wait3A_246 = tpu.memref_slice %arg4[%mul3A_4] : memref<13107200xf32, #tpu.memory_space<hbm>> -> memref<20480xf32, #tpu.memory_space<hbm>>
        %dma_wait3A_247 = arith.constant 0 : i32
        %dma_wait3A_248 = tpu.memref_slice %arg7[%dma_wait3A_241, %dma_wait3A_247] : memref<2x20480xf32, #tpu.memory_space<vmem>> -> memref<1x20480xf32, #tpu.memory_space<vmem>>
        %dma_wait3A_249 = tpu.memref_squeeze %dma_wait3A_248 : memref<1x20480xf32, #tpu.memory_space<vmem>> -> memref<20480xf32, #tpu.memory_space<vmem>>
        tpu.wait_dma2 semaphore(%arg10 : memref<!tpu.dma_semaphore, #tpu.memory_space<semaphore_mem>>) src(%dma_wait3A_249 : memref<20480xf32, #tpu.memory_space<vmem>>) dst(%dma_wait3A_246 : memref<20480xf32, #tpu.memory_space<hbm>>)
      } else {
      }
      %scan3A_174 = arith.constant 0 : i32
      %scan3A_175 = arith.constant 0 : i32
      %scan3A_176 = arith.constant 1280 : i32
      %scan3A_177 = arith.addi %scan3A_175, %scan3A_176 : i32
      %scan3A_178 = arith.constant 8 : i32
      scf.for %scan3A_241 = %scan3A_175 to %scan3A_177 step %scan3A_178  : i32 {
        %get3A = arith.constant 0 : i32
        %get3A_242 = arith.index_cast %get3A : i32 to index
        %get3A_243 = arith.index_cast %scan3A_241 : i32 to index
        %get3A_244 = arith.constant 0 : index
        %get3A_245 = tpu.vector_load %arg6[%get3A_242, %get3A_243, %get3A_244] {strides = array<i32>} : memref<2x1280x16xf32, #tpu.memory_space<vmem>>, vector<1x1x16xf32>,
        %get3A_246 = vector.shape_cast %get3A_245 : vector<1x1x16xf32> to vector<16xf32>
        %mul3A_247 = arith.constant 16 : i32
        %mul3A_248 = arith.muli %scan3A_241, %mul3A_247 : i32
        %swap3A = arith.constant 0 : i32
        %swap3A_249 = arith.index_cast %swap3A : i32 to index
        %swap3A_250 = arith.index_cast %mul3A_248 : i32 to index
        %swap3A_251 = tpu.vector_load %arg7[%swap3A_249, %swap3A_250] {strides = array<i32>} : memref<2x20480xf32, #tpu.memory_space<vmem>>, vector<1x16xf32>,
        %swap3A_252 = vector.shape_cast %swap3A_251 : vector<1x16xf32> to vector<16xf32>
        %swap3A_253 = vector.shape_cast %get3A_246 : vector<16xf32> to vector<1x16xf32>
        tpu.vector_store %arg7[%swap3A_249, %swap3A_250], %swap3A_253 {strides = array<i32>} : memref<2x20480xf32, #tpu.memory_space<vmem>>, vector<1x16xf32>,
        %scan3A_254 = arith.constant 1 : i32
        %scan3A_255 = arith.addi %scan3A_241, %scan3A_254 : i32
        %get3A_256 = arith.constant 0 : i32
        %get3A_257 = arith.index_cast %get3A_256 : i32 to index
        %get3A_258 = arith.index_cast %scan3A_255 : i32 to index
        %get3A_259 = arith.constant 0 : index
        %get3A_260 = tpu.vector_load %arg6[%get3A_257, %get3A_258, %get3A_259] {strides = array<i32>} : memref<2x1280x16xf32, #tpu.memory_space<vmem>>, vector<1x1x16xf32>,
        %get3A_261 = vector.shape_cast %get3A_260 : vector<1x1x16xf32> to vector<16xf32>
        %mul3A_262 = arith.constant 16 : i32
        %mul3A_263 = arith.muli %scan3A_255, %mul3A_262 : i32
        %swap3A_264 = arith.constant 0 : i32
        %swap3A_265 = arith.index_cast %swap3A_264 : i32 to index
        %swap3A_266 = arith.index_cast %mul3A_263 : i32 to index
        %swap3A_267 = tpu.vector_load %arg7[%swap3A_265, %swap3A_266] {strides = array<i32>} : memref<2x20480xf32, #tpu.memory_space<vmem>>, vector<1x16xf32>,
        %swap3A_268 = vector.shape_cast %swap3A_267 : vector<1x16xf32> to vector<16xf32>
        %swap3A_269 = vector.shape_cast %get3A_261 : vector<16xf32> to vector<1x16xf32>
        tpu.vector_store %arg7[%swap3A_265, %swap3A_266], %swap3A_269 {strides = array<i32>} : memref<2x20480xf32, #tpu.memory_space<vmem>>, vector<1x16xf32>,
        %scan3A_270 = arith.constant 2 : i32
        %scan3A_271 = arith.addi %scan3A_241, %scan3A_270 : i32
        %get3A_272 = arith.constant 0 : i32
        %get3A_273 = arith.index_cast %get3A_272 : i32 to index
        %get3A_274 = arith.index_cast %scan3A_271 : i32 to index
        %get3A_275 = arith.constant 0 : index
        %get3A_276 = tpu.vector_load %arg6[%get3A_273, %get3A_274, %get3A_275] {strides = array<i32>} : memref<2x1280x16xf32, #tpu.memory_space<vmem>>, vector<1x1x16xf32>,
        %get3A_277 = vector.shape_cast %get3A_276 : vector<1x1x16xf32> to vector<16xf32>
        %mul3A_278 = arith.constant 16 : i32
        %mul3A_279 = arith.muli %scan3A_271, %mul3A_278 : i32
        %swap3A_280 = arith.constant 0 : i32
        %swap3A_281 = arith.index_cast %swap3A_280 : i32 to index
        %swap3A_282 = arith.index_cast %mul3A_279 : i32 to index
        %swap3A_283 = tpu.vector_load %arg7[%swap3A_281, %swap3A_282] {strides = array<i32>} : memref<2x20480xf32, #tpu.memory_space<vmem>>, vector<1x16xf32>,
        %swap3A_284 = vector.shape_cast %swap3A_283 : vector<1x16xf32> to vector<16xf32>
        %swap3A_285 = vector.shape_cast %get3A_277 : vector<16xf32> to vector<1x16xf32>
        tpu.vector_store %arg7[%swap3A_281, %swap3A_282], %swap3A_285 {strides = array<i32>} : memref<2x20480xf32, #tpu.memory_space<vmem>>, vector<1x16xf32>,
        %scan3A_286 = arith.constant 3 : i32
        %scan3A_287 = arith.addi %scan3A_241, %scan3A_286 : i32
        %get3A_288 = arith.constant 0 : i32
        %get3A_289 = arith.index_cast %get3A_288 : i32 to index
        %get3A_290 = arith.index_cast %scan3A_287 : i32 to index
        %get3A_291 = arith.constant 0 : index
        %get3A_292 = tpu.vector_load %arg6[%get3A_289, %get3A_290, %get3A_291] {strides = array<i32>} : memref<2x1280x16xf32, #tpu.memory_space<vmem>>, vector<1x1x16xf32>,
        %get3A_293 = vector.shape_cast %get3A_292 : vector<1x1x16xf32> to vector<16xf32>
        %mul3A_294 = arith.constant 16 : i32
        %mul3A_295 = arith.muli %scan3A_287, %mul3A_294 : i32
        %swap3A_296 = arith.constant 0 : i32
        %swap3A_297 = arith.index_cast %swap3A_296 : i32 to index
        %swap3A_298 = arith.index_cast %mul3A_295 : i32 to index
        %swap3A_299 = tpu.vector_load %arg7[%swap3A_297, %swap3A_298] {strides = array<i32>} : memref<2x20480xf32, #tpu.memory_space<vmem>>, vector<1x16xf32>,
        %swap3A_300 = vector.shape_cast %swap3A_299 : vector<1x16xf32> to vector<16xf32>
        %swap3A_301 = vector.shape_cast %get3A_293 : vector<16xf32> to vector<1x16xf32>
        tpu.vector_store %arg7[%swap3A_297, %swap3A_298], %swap3A_301 {strides = array<i32>} : memref<2x20480xf32, #tpu.memory_space<vmem>>, vector<1x16xf32>,
        %scan3A_302 = arith.constant 4 : i32
        %scan3A_303 = arith.addi %scan3A_241, %scan3A_302 : i32
        %get3A_304 = arith.constant 0 : i32
        %get3A_305 = arith.index_cast %get3A_304 : i32 to index
        %get3A_306 = arith.index_cast %scan3A_303 : i32 to index
        %get3A_307 = arith.constant 0 : index
        %get3A_308 = tpu.vector_load %arg6[%get3A_305, %get3A_306, %get3A_307] {strides = array<i32>} : memref<2x1280x16xf32, #tpu.memory_space<vmem>>, vector<1x1x16xf32>,
        %get3A_309 = vector.shape_cast %get3A_308 : vector<1x1x16xf32> to vector<16xf32>
        %mul3A_310 = arith.constant 16 : i32
        %mul3A_311 = arith.muli %scan3A_303, %mul3A_310 : i32
        %swap3A_312 = arith.constant 0 : i32
        %swap3A_313 = arith.index_cast %swap3A_312 : i32 to index
        %swap3A_314 = arith.index_cast %mul3A_311 : i32 to index
        %swap3A_315 = tpu.vector_load %arg7[%swap3A_313, %swap3A_314] {strides = array<i32>} : memref<2x20480xf32, #tpu.memory_space<vmem>>, vector<1x16xf32>,
        %swap3A_316 = vector.shape_cast %swap3A_315 : vector<1x16xf32> to vector<16xf32>
        %swap3A_317 = vector.shape_cast %get3A_309 : vector<16xf32> to vector<1x16xf32>
        tpu.vector_store %arg7[%swap3A_313, %swap3A_314], %swap3A_317 {strides = array<i32>} : memref<2x20480xf32, #tpu.memory_space<vmem>>, vector<1x16xf32>,
        %scan3A_318 = arith.constant 5 : i32
        %scan3A_319 = arith.addi %scan3A_241, %scan3A_318 : i32
        %get3A_320 = arith.constant 0 : i32
        %get3A_321 = arith.index_cast %get3A_320 : i32 to index
        %get3A_322 = arith.index_cast %scan3A_319 : i32 to index
        %get3A_323 = arith.constant 0 : index
        %get3A_324 = tpu.vector_load %arg6[%get3A_321, %get3A_322, %get3A_323] {strides = array<i32>} : memref<2x1280x16xf32, #tpu.memory_space<vmem>>, vector<1x1x16xf32>,
        %get3A_325 = vector.shape_cast %get3A_324 : vector<1x1x16xf32> to vector<16xf32>
        %mul3A_326 = arith.constant 16 : i32
        %mul3A_327 = arith.muli %scan3A_319, %mul3A_326 : i32
        %swap3A_328 = arith.constant 0 : i32
        %swap3A_329 = arith.index_cast %swap3A_328 : i32 to index
        %swap3A_330 = arith.index_cast %mul3A_327 : i32 to index
        %swap3A_331 = tpu.vector_load %arg7[%swap3A_329, %swap3A_330] {strides = array<i32>} : memref<2x20480xf32, #tpu.memory_space<vmem>>, vector<1x16xf32>,
        %swap3A_332 = vector.shape_cast %swap3A_331 : vector<1x16xf32> to vector<16xf32>
        %swap3A_333 = vector.shape_cast %get3A_325 : vector<16xf32> to vector<1x16xf32>
        tpu.vector_store %arg7[%swap3A_329, %swap3A_330], %swap3A_333 {strides = array<i32>} : memref<2x20480xf32, #tpu.memory_space<vmem>>, vector<1x16xf32>,
        %scan3A_334 = arith.constant 6 : i32
        %scan3A_335 = arith.addi %scan3A_241, %scan3A_334 : i32
        %get3A_336 = arith.constant 0 : i32
        %get3A_337 = arith.index_cast %get3A_336 : i32 to index
        %get3A_338 = arith.index_cast %scan3A_335 : i32 to index
        %get3A_339 = arith.constant 0 : index
        %get3A_340 = tpu.vector_load %arg6[%get3A_337, %get3A_338, %get3A_339] {strides = array<i32>} : memref<2x1280x16xf32, #tpu.memory_space<vmem>>, vector<1x1x16xf32>,
        %get3A_341 = vector.shape_cast %get3A_340 : vector<1x1x16xf32> to vector<16xf32>
        %mul3A_342 = arith.constant 16 : i32
        %mul3A_343 = arith.muli %scan3A_335, %mul3A_342 : i32
        %swap3A_344 = arith.constant 0 : i32
        %swap3A_345 = arith.index_cast %swap3A_344 : i32 to index
        %swap3A_346 = arith.index_cast %mul3A_343 : i32 to index
        %swap3A_347 = tpu.vector_load %arg7[%swap3A_345, %swap3A_346] {strides = array<i32>} : memref<2x20480xf32, #tpu.memory_space<vmem>>, vector<1x16xf32>,
        %swap3A_348 = vector.shape_cast %swap3A_347 : vector<1x16xf32> to vector<16xf32>
        %swap3A_349 = vector.shape_cast %get3A_341 : vector<16xf32> to vector<1x16xf32>
        tpu.vector_store %arg7[%swap3A_345, %swap3A_346], %swap3A_349 {strides = array<i32>} : memref<2x20480xf32, #tpu.memory_space<vmem>>, vector<1x16xf32>,
        %scan3A_350 = arith.constant 7 : i32
        %scan3A_351 = arith.addi %scan3A_241, %scan3A_350 : i32
        %get3A_352 = arith.constant 0 : i32
        %get3A_353 = arith.index_cast %get3A_352 : i32 to index
        %get3A_354 = arith.index_cast %scan3A_351 : i32 to index
        %get3A_355 = arith.constant 0 : index
        %get3A_356 = tpu.vector_load %arg6[%get3A_353, %get3A_354, %get3A_355] {strides = array<i32>} : memref<2x1280x16xf32, #tpu.memory_space<vmem>>, vector<1x1x16xf32>,
        %get3A_357 = vector.shape_cast %get3A_356 : vector<1x1x16xf32> to vector<16xf32>
        %mul3A_358 = arith.constant 16 : i32
        %mul3A_359 = arith.muli %scan3A_351, %mul3A_358 : i32
        %swap3A_360 = arith.constant 0 : i32
        %swap3A_361 = arith.index_cast %swap3A_360 : i32 to index
        %swap3A_362 = arith.index_cast %mul3A_359 : i32 to index
        %swap3A_363 = tpu.vector_load %arg7[%swap3A_361, %swap3A_362] {strides = array<i32>} : memref<2x20480xf32, #tpu.memory_space<vmem>>, vector<1x16xf32>,
        %swap3A_364 = vector.shape_cast %swap3A_363 : vector<1x16xf32> to vector<16xf32>
        %swap3A_365 = vector.shape_cast %get3A_357 : vector<16xf32> to vector<1x16xf32>
        tpu.vector_store %arg7[%swap3A_361, %swap3A_362], %swap3A_365 {strides = array<i32>} : memref<2x20480xf32, #tpu.memory_space<vmem>>, vector<1x16xf32>,
      }
      %scan3A_179 = arith.constant 1280 : i32
      %mul3A_180 = arith.constant 20480 : i32
      %mul3A_181 = arith.muli %add3A_150, %mul3A_180 : i32
      %add3A_182 = arith.addi %mul3A_4, %mul3A_181 : i32
      %dma_start3A_183 = arith.constant 0 : i32
      %dma_start3A_184 = arith.constant 0 : i32
      %dma_start3A_185 = tpu.memref_slice %arg7[%dma_start3A_183, %dma_start3A_184] : memref<2x20480xf32, #tpu.memory_space<vmem>> -> memref<1x20480xf32, #tpu.memory_space<vmem>>
      %dma_start3A_186 = tpu.memref_squeeze %dma_start3A_185 : memref<1x20480xf32, #tpu.memory_space<vmem>> -> memref<20480xf32, #tpu.memory_space<vmem>>
      %dma_start3A_187 = tpu.memref_slice %arg4[%add3A_182] : memref<13107200xf32, #tpu.memory_space<hbm>> -> memref<20480xf32, #tpu.memory_space<hbm>>
      %dma_start3A_188 = tpu.memref_slice %arg4[%add3A_182] : memref<13107200xf32, #tpu.memory_space<hbm>> -> memref<20480xf32, #tpu.memory_space<hbm>>
      %dma_start3A_189 = arith.constant 0 : i32
      %dma_start3A_190 = tpu.memref_slice %arg7[%dma_start3A_183, %dma_start3A_189] : memref<2x20480xf32, #tpu.memory_space<vmem>> -> memref<1x20480xf32, #tpu.memory_space<vmem>>
      %dma_start3A_191 = tpu.memref_squeeze %dma_start3A_190 : memref<1x20480xf32, #tpu.memory_space<vmem>> -> memref<20480xf32, #tpu.memory_space<vmem>>
      tpu.enqueue_dma source(%dma_start3A_191 : memref<20480xf32, #tpu.memory_space<vmem>>) target(%dma_start3A_188 : memref<20480xf32, #tpu.memory_space<hbm>>) target_semaphore(%arg10 : memref<!tpu.dma_semaphore, #tpu.memory_space<semaphore_mem>>)
      %mul3A_192 = arith.constant 2 : i32
      %mul3A_193 = arith.muli %scan3A_146, %mul3A_192 : i32
      %add3A_194 = arith.constant 1 : i32
      %add3A_195 = arith.addi %mul3A_193, %add3A_194 : i32
      %add3A_196 = arith.constant 1 : i32
      %add3A_197 = arith.addi %add3A_195, %add3A_196 : i32
      %lt3A_198 = arith.constant 20 : i32
      %lt3A_199 = arith.cmpi slt, %add3A_197, %lt3A_198 : i32
      %convert_element_type3A_200 = arith.extui %lt3A_199 : i1 to i32
      %cond3A_201 = arith.constant 0 : i32
      %cond3A_202 = arith.cmpi ne, %convert_element_type3A_200, %cond3A_201 : i32
      scf.if %cond3A_202 {
        %add3A_241 = arith.constant 1 : i32
        %add3A_242 = arith.addi %add3A_195, %add3A_241 : i32
        %mul3A_243 = arith.constant 10 : i32
        %mul3A_244 = arith.muli %add3A_242, %mul3A_243 : i32
        %add3A_245 = arith.constant 0 : i32
        %add3A_246 = arith.addi %mul3A_244, %add3A_245 : i32
        %dma_start3A_247 = arith.constant 0 : i32
        %dma_start3A_248 = arith.constant 0 : i32
        %dma_start3A_249 = arith.constant 0 : i32
        %dma_start3A_250 = tpu.memref_slice %arg6[%dma_start3A_247, %dma_start3A_248, %dma_start3A_249] : memref<2x1280x16xf32, #tpu.memory_space<vmem>> -> memref<1x128x16xf32, #tpu.memory_space<vmem>>
        %dma_start3A_251 = tpu.memref_squeeze %dma_start3A_250 : memref<1x128x16xf32, #tpu.memory_space<vmem>> -> memref<128x16xf32, #tpu.memory_space<vmem>>
        %dma_start3A_252 = arith.constant 0 : i32
        %dma_start3A_253 = tpu.memref_slice %arg5[%add3A_246, %dma_start3A_252] : memref<200x128xi32, #tpu.memory_space<vmem>> -> memref<1x128xi32, #tpu.memory_space<vmem>>
        %dma_start3A_254 = tpu.memref_squeeze %dma_start3A_253 : memref<1x128xi32, #tpu.memory_space<vmem>> -> memref<128xi32, #tpu.memory_space<vmem>>
        %dma_start3A_255 = arith.constant 0 : i32
        %dma_start3A_256 = arith.constant 0 : i32
        %dma_start3A_257 = tpu.memref_slice %arg3[%dma_start3A_255, %dma_start3A_256] : memref<1000000x16xf32, #tpu.memory_space<hbm>> -> memref<1000000x16xf32, #tpu.memory_space<hbm>>
        tpu.enqueue_indirect_dma source(%dma_start3A_257 : memref<1000000x16xf32, #tpu.memory_space<hbm>>) target(%dma_start3A_251 : memref<128x16xf32, #tpu.memory_space<vmem>>) offsets(%dma_start3A_254 : memref<128xi32, #tpu.memory_space<vmem>>) semaphore(%arg8 : memref<!tpu.dma_semaphore, #tpu.memory_space<semaphore_mem>>)
        %mul3A_258 = arith.constant 10 : i32
        %mul3A_259 = arith.muli %add3A_242, %mul3A_258 : i32
        %add3A_260 = arith.constant 1 : i32
        %add3A_261 = arith.addi %mul3A_259, %add3A_260 : i32
        %dma_start3A_262 = arith.constant 0 : i32
        %dma_start3A_263 = arith.constant 128 : i32
        %dma_start3A_264 = arith.constant 0 : i32
        %dma_start3A_265 = tpu.memref_slice %arg6[%dma_start3A_262, %dma_start3A_263, %dma_start3A_264] : memref<2x1280x16xf32, #tpu.memory_space<vmem>> -> memref<1x128x16xf32, #tpu.memory_space<vmem>>
        %dma_start3A_266 = tpu.memref_squeeze %dma_start3A_265 : memref<1x128x16xf32, #tpu.memory_space<vmem>> -> memref<128x16xf32, #tpu.memory_space<vmem>>
        %dma_start3A_267 = arith.constant 0 : i32
        %dma_start3A_268 = tpu.memref_slice %arg5[%add3A_261, %dma_start3A_267] : memref<200x128xi32, #tpu.memory_space<vmem>> -> memref<1x128xi32, #tpu.memory_space<vmem>>
        %dma_start3A_269 = tpu.memref_squeeze %dma_start3A_268 : memref<1x128xi32, #tpu.memory_space<vmem>> -> memref<128xi32, #tpu.memory_space<vmem>>
        %dma_start3A_270 = arith.constant 0 : i32
        %dma_start3A_271 = arith.constant 0 : i32
        %dma_start3A_272 = tpu.memref_slice %arg3[%dma_start3A_270, %dma_start3A_271] : memref<1000000x16xf32, #tpu.memory_space<hbm>> -> memref<1000000x16xf32, #tpu.memory_space<hbm>>
        tpu.enqueue_indirect_dma source(%dma_start3A_272 : memref<1000000x16xf32, #tpu.memory_space<hbm>>) target(%dma_start3A_266 : memref<128x16xf32, #tpu.memory_space<vmem>>) offsets(%dma_start3A_269 : memref<128xi32, #tpu.memory_space<vmem>>) semaphore(%arg8 : memref<!tpu.dma_semaphore, #tpu.memory_space<semaphore_mem>>)
        %mul3A_273 = arith.constant 10 : i32
        %mul3A_274 = arith.muli %add3A_242, %mul3A_273 : i32
        %add3A_275 = arith.constant 2 : i32
        %add3A_276 = arith.addi %mul3A_274, %add3A_275 : i32
        %dma_start3A_277 = arith.constant 0 : i32
        %dma_start3A_278 = arith.constant 256 : i32
        %dma_start3A_279 = arith.constant 0 : i32
        %dma_start3A_280 = tpu.memref_slice %arg6[%dma_start3A_277, %dma_start3A_278, %dma_start3A_279] : memref<2x1280x16xf32, #tpu.memory_space<vmem>> -> memref<1x128x16xf32, #tpu.memory_space<vmem>>
        %dma_start3A_281 = tpu.memref_squeeze %dma_start3A_280 : memref<1x128x16xf32, #tpu.memory_space<vmem>> -> memref<128x16xf32, #tpu.memory_space<vmem>>
        %dma_start3A_282 = arith.constant 0 : i32
        %dma_start3A_283 = tpu.memref_slice %arg5[%add3A_276, %dma_start3A_282] : memref<200x128xi32, #tpu.memory_space<vmem>> -> memref<1x128xi32, #tpu.memory_space<vmem>>
        %dma_start3A_284 = tpu.memref_squeeze %dma_start3A_283 : memref<1x128xi32, #tpu.memory_space<vmem>> -> memref<128xi32, #tpu.memory_space<vmem>>
        %dma_start3A_285 = arith.constant 0 : i32
        %dma_start3A_286 = arith.constant 0 : i32
        %dma_start3A_287 = tpu.memref_slice %arg3[%dma_start3A_285, %dma_start3A_286] : memref<1000000x16xf32, #tpu.memory_space<hbm>> -> memref<1000000x16xf32, #tpu.memory_space<hbm>>
        tpu.enqueue_indirect_dma source(%dma_start3A_287 : memref<1000000x16xf32, #tpu.memory_space<hbm>>) target(%dma_start3A_281 : memref<128x16xf32, #tpu.memory_space<vmem>>) offsets(%dma_start3A_284 : memref<128xi32, #tpu.memory_space<vmem>>) semaphore(%arg8 : memref<!tpu.dma_semaphore, #tpu.memory_space<semaphore_mem>>)
        %mul3A_288 = arith.constant 10 : i32
        %mul3A_289 = arith.muli %add3A_242, %mul3A_288 : i32
        %add3A_290 = arith.constant 3 : i32
        %add3A_291 = arith.addi %mul3A_289, %add3A_290 : i32
        %dma_start3A_292 = arith.constant 0 : i32
        %dma_start3A_293 = arith.constant 384 : i32
        %dma_start3A_294 = arith.constant 0 : i32
        %dma_start3A_295 = tpu.memref_slice %arg6[%dma_start3A_292, %dma_start3A_293, %dma_start3A_294] : memref<2x1280x16xf32, #tpu.memory_space<vmem>> -> memref<1x128x16xf32, #tpu.memory_space<vmem>>
        %dma_start3A_296 = tpu.memref_squeeze %dma_start3A_295 : memref<1x128x16xf32, #tpu.memory_space<vmem>> -> memref<128x16xf32, #tpu.memory_space<vmem>>
        %dma_start3A_297 = arith.constant 0 : i32
        %dma_start3A_298 = tpu.memref_slice %arg5[%add3A_291, %dma_start3A_297] : memref<200x128xi32, #tpu.memory_space<vmem>> -> memref<1x128xi32, #tpu.memory_space<vmem>>
        %dma_start3A_299 = tpu.memref_squeeze %dma_start3A_298 : memref<1x128xi32, #tpu.memory_space<vmem>> -> memref<128xi32, #tpu.memory_space<vmem>>
        %dma_start3A_300 = arith.constant 0 : i32
        %dma_start3A_301 = arith.constant 0 : i32
        %dma_start3A_302 = tpu.memref_slice %arg3[%dma_start3A_300, %dma_start3A_301] : memref<1000000x16xf32, #tpu.memory_space<hbm>> -> memref<1000000x16xf32, #tpu.memory_space<hbm>>
        tpu.enqueue_indirect_dma source(%dma_start3A_302 : memref<1000000x16xf32, #tpu.memory_space<hbm>>) target(%dma_start3A_296 : memref<128x16xf32, #tpu.memory_space<vmem>>) offsets(%dma_start3A_299 : memref<128xi32, #tpu.memory_space<vmem>>) semaphore(%arg8 : memref<!tpu.dma_semaphore, #tpu.memory_space<semaphore_mem>>)
        %mul3A_303 = arith.constant 10 : i32
        %mul3A_304 = arith.muli %add3A_242, %mul3A_303 : i32
        %add3A_305 = arith.constant 4 : i32
        %add3A_306 = arith.addi %mul3A_304, %add3A_305 : i32
        %dma_start3A_307 = arith.constant 0 : i32
        %dma_start3A_308 = arith.constant 512 : i32
        %dma_start3A_309 = arith.constant 0 : i32
        %dma_start3A_310 = tpu.memref_slice %arg6[%dma_start3A_307, %dma_start3A_308, %dma_start3A_309] : memref<2x1280x16xf32, #tpu.memory_space<vmem>> -> memref<1x128x16xf32, #tpu.memory_space<vmem>>
        %dma_start3A_311 = tpu.memref_squeeze %dma_start3A_310 : memref<1x128x16xf32, #tpu.memory_space<vmem>> -> memref<128x16xf32, #tpu.memory_space<vmem>>
        %dma_start3A_312 = arith.constant 0 : i32
        %dma_start3A_313 = tpu.memref_slice %arg5[%add3A_306, %dma_start3A_312] : memref<200x128xi32, #tpu.memory_space<vmem>> -> memref<1x128xi32, #tpu.memory_space<vmem>>
        %dma_start3A_314 = tpu.memref_squeeze %dma_start3A_313 : memref<1x128xi32, #tpu.memory_space<vmem>> -> memref<128xi32, #tpu.memory_space<vmem>>
        %dma_start3A_315 = arith.constant 0 : i32
        %dma_start3A_316 = arith.constant 0 : i32
        %dma_start3A_317 = tpu.memref_slice %arg3[%dma_start3A_315, %dma_start3A_316] : memref<1000000x16xf32, #tpu.memory_space<hbm>> -> memref<1000000x16xf32, #tpu.memory_space<hbm>>
        tpu.enqueue_indirect_dma source(%dma_start3A_317 : memref<1000000x16xf32, #tpu.memory_space<hbm>>) target(%dma_start3A_311 : memref<128x16xf32, #tpu.memory_space<vmem>>) offsets(%dma_start3A_314 : memref<128xi32, #tpu.memory_space<vmem>>) semaphore(%arg8 : memref<!tpu.dma_semaphore, #tpu.memory_space<semaphore_mem>>)
        %mul3A_318 = arith.constant 10 : i32
        %mul3A_319 = arith.muli %add3A_242, %mul3A_318 : i32
        %add3A_320 = arith.constant 5 : i32
        %add3A_321 = arith.addi %mul3A_319, %add3A_320 : i32
        %dma_start3A_322 = arith.constant 0 : i32
        %dma_start3A_323 = arith.constant 640 : i32
        %dma_start3A_324 = arith.constant 0 : i32
        %dma_start3A_325 = tpu.memref_slice %arg6[%dma_start3A_322, %dma_start3A_323, %dma_start3A_324] : memref<2x1280x16xf32, #tpu.memory_space<vmem>> -> memref<1x128x16xf32, #tpu.memory_space<vmem>>
        %dma_start3A_326 = tpu.memref_squeeze %dma_start3A_325 : memref<1x128x16xf32, #tpu.memory_space<vmem>> -> memref<128x16xf32, #tpu.memory_space<vmem>>
        %dma_start3A_327 = arith.constant 0 : i32
        %dma_start3A_328 = tpu.memref_slice %arg5[%add3A_321, %dma_start3A_327] : memref<200x128xi32, #tpu.memory_space<vmem>> -> memref<1x128xi32, #tpu.memory_space<vmem>>
        %dma_start3A_329 = tpu.memref_squeeze %dma_start3A_328 : memref<1x128xi32, #tpu.memory_space<vmem>> -> memref<128xi32, #tpu.memory_space<vmem>>
        %dma_start3A_330 = arith.constant 0 : i32
        %dma_start3A_331 = arith.constant 0 : i32
        %dma_start3A_332 = tpu.memref_slice %arg3[%dma_start3A_330, %dma_start3A_331] : memref<1000000x16xf32, #tpu.memory_space<hbm>> -> memref<1000000x16xf32, #tpu.memory_space<hbm>>
        tpu.enqueue_indirect_dma source(%dma_start3A_332 : memref<1000000x16xf32, #tpu.memory_space<hbm>>) target(%dma_start3A_326 : memref<128x16xf32, #tpu.memory_space<vmem>>) offsets(%dma_start3A_329 : memref<128xi32, #tpu.memory_space<vmem>>) semaphore(%arg8 : memref<!tpu.dma_semaphore, #tpu.memory_space<semaphore_mem>>)
        %mul3A_333 = arith.constant 10 : i32
        %mul3A_334 = arith.muli %add3A_242, %mul3A_333 : i32
        %add3A_335 = arith.constant 6 : i32
        %add3A_336 = arith.addi %mul3A_334, %add3A_335 : i32
        %dma_start3A_337 = arith.constant 0 : i32
        %dma_start3A_338 = arith.constant 768 : i32
        %dma_start3A_339 = arith.constant 0 : i32
        %dma_start3A_340 = tpu.memref_slice %arg6[%dma_start3A_337, %dma_start3A_338, %dma_start3A_339] : memref<2x1280x16xf32, #tpu.memory_space<vmem>> -> memref<1x128x16xf32, #tpu.memory_space<vmem>>
        %dma_start3A_341 = tpu.memref_squeeze %dma_start3A_340 : memref<1x128x16xf32, #tpu.memory_space<vmem>> -> memref<128x16xf32, #tpu.memory_space<vmem>>
        %dma_start3A_342 = arith.constant 0 : i32
        %dma_start3A_343 = tpu.memref_slice %arg5[%add3A_336, %dma_start3A_342] : memref<200x128xi32, #tpu.memory_space<vmem>> -> memref<1x128xi32, #tpu.memory_space<vmem>>
        %dma_start3A_344 = tpu.memref_squeeze %dma_start3A_343 : memref<1x128xi32, #tpu.memory_space<vmem>> -> memref<128xi32, #tpu.memory_space<vmem>>
        %dma_start3A_345 = arith.constant 0 : i32
        %dma_start3A_346 = arith.constant 0 : i32
        %dma_start3A_347 = tpu.memref_slice %arg3[%dma_start3A_345, %dma_start3A_346] : memref<1000000x16xf32, #tpu.memory_space<hbm>> -> memref<1000000x16xf32, #tpu.memory_space<hbm>>
        tpu.enqueue_indirect_dma source(%dma_start3A_347 : memref<1000000x16xf32, #tpu.memory_space<hbm>>) target(%dma_start3A_341 : memref<128x16xf32, #tpu.memory_space<vmem>>) offsets(%dma_start3A_344 : memref<128xi32, #tpu.memory_space<vmem>>) semaphore(%arg8 : memref<!tpu.dma_semaphore, #tpu.memory_space<semaphore_mem>>)
        %mul3A_348 = arith.constant 10 : i32
        %mul3A_349 = arith.muli %add3A_242, %mul3A_348 : i32
        %add3A_350 = arith.constant 7 : i32
        %add3A_351 = arith.addi %mul3A_349, %add3A_350 : i32
        %dma_start3A_352 = arith.constant 0 : i32
        %dma_start3A_353 = arith.constant 896 : i32
        %dma_start3A_354 = arith.constant 0 : i32
        %dma_start3A_355 = tpu.memref_slice %arg6[%dma_start3A_352, %dma_start3A_353, %dma_start3A_354] : memref<2x1280x16xf32, #tpu.memory_space<vmem>> -> memref<1x128x16xf32, #tpu.memory_space<vmem>>
        %dma_start3A_356 = tpu.memref_squeeze %dma_start3A_355 : memref<1x128x16xf32, #tpu.memory_space<vmem>> -> memref<128x16xf32, #tpu.memory_space<vmem>>
        %dma_start3A_357 = arith.constant 0 : i32
        %dma_start3A_358 = tpu.memref_slice %arg5[%add3A_351, %dma_start3A_357] : memref<200x128xi32, #tpu.memory_space<vmem>> -> memref<1x128xi32, #tpu.memory_space<vmem>>
        %dma_start3A_359 = tpu.memref_squeeze %dma_start3A_358 : memref<1x128xi32, #tpu.memory_space<vmem>> -> memref<128xi32, #tpu.memory_space<vmem>>
        %dma_start3A_360 = arith.constant 0 : i32
        %dma_start3A_361 = arith.constant 0 : i32
        %dma_start3A_362 = tpu.memref_slice %arg3[%dma_start3A_360, %dma_start3A_361] : memref<1000000x16xf32, #tpu.memory_space<hbm>> -> memref<1000000x16xf32, #tpu.memory_space<hbm>>
        tpu.enqueue_indirect_dma source(%dma_start3A_362 : memref<1000000x16xf32, #tpu.memory_space<hbm>>) target(%dma_start3A_356 : memref<128x16xf32, #tpu.memory_space<vmem>>) offsets(%dma_start3A_359 : memref<128xi32, #tpu.memory_space<vmem>>) semaphore(%arg8 : memref<!tpu.dma_semaphore, #tpu.memory_space<semaphore_mem>>)
        %mul3A_363 = arith.constant 10 : i32
        %mul3A_364 = arith.muli %add3A_242, %mul3A_363 : i32
        %add3A_365 = arith.constant 8 : i32
        %add3A_366 = arith.addi %mul3A_364, %add3A_365 : i32
        %dma_start3A_367 = arith.constant 0 : i32
        %dma_start3A_368 = arith.constant 1024 : i32
        %dma_start3A_369 = arith.constant 0 : i32
        %dma_start3A_370 = tpu.memref_slice %arg6[%dma_start3A_367, %dma_start3A_368, %dma_start3A_369] : memref<2x1280x16xf32, #tpu.memory_space<vmem>> -> memref<1x128x16xf32, #tpu.memory_space<vmem>>
        %dma_start3A_371 = tpu.memref_squeeze %dma_start3A_370 : memref<1x128x16xf32, #tpu.memory_space<vmem>> -> memref<128x16xf32, #tpu.memory_space<vmem>>
        %dma_start3A_372 = arith.constant 0 : i32
        %dma_start3A_373 = tpu.memref_slice %arg5[%add3A_366, %dma_start3A_372] : memref<200x128xi32, #tpu.memory_space<vmem>> -> memref<1x128xi32, #tpu.memory_space<vmem>>
        %dma_start3A_374 = tpu.memref_squeeze %dma_start3A_373 : memref<1x128xi32, #tpu.memory_space<vmem>> -> memref<128xi32, #tpu.memory_space<vmem>>
        %dma_start3A_375 = arith.constant 0 : i32
        %dma_start3A_376 = arith.constant 0 : i32
        %dma_start3A_377 = tpu.memref_slice %arg3[%dma_start3A_375, %dma_start3A_376] : memref<1000000x16xf32, #tpu.memory_space<hbm>> -> memref<1000000x16xf32, #tpu.memory_space<hbm>>
        tpu.enqueue_indirect_dma source(%dma_start3A_377 : memref<1000000x16xf32, #tpu.memory_space<hbm>>) target(%dma_start3A_371 : memref<128x16xf32, #tpu.memory_space<vmem>>) offsets(%dma_start3A_374 : memref<128xi32, #tpu.memory_space<vmem>>) semaphore(%arg8 : memref<!tpu.dma_semaphore, #tpu.memory_space<semaphore_mem>>)
        %mul3A_378 = arith.constant 10 : i32
        %mul3A_379 = arith.muli %add3A_242, %mul3A_378 : i32
        %add3A_380 = arith.constant 9 : i32
        %add3A_381 = arith.addi %mul3A_379, %add3A_380 : i32
        %dma_start3A_382 = arith.constant 0 : i32
        %dma_start3A_383 = arith.constant 1152 : i32
        %dma_start3A_384 = arith.constant 0 : i32
        %dma_start3A_385 = tpu.memref_slice %arg6[%dma_start3A_382, %dma_start3A_383, %dma_start3A_384] : memref<2x1280x16xf32, #tpu.memory_space<vmem>> -> memref<1x128x16xf32, #tpu.memory_space<vmem>>
        %dma_start3A_386 = tpu.memref_squeeze %dma_start3A_385 : memref<1x128x16xf32, #tpu.memory_space<vmem>> -> memref<128x16xf32, #tpu.memory_space<vmem>>
        %dma_start3A_387 = arith.constant 0 : i32
        %dma_start3A_388 = tpu.memref_slice %arg5[%add3A_381, %dma_start3A_387] : memref<200x128xi32, #tpu.memory_space<vmem>> -> memref<1x128xi32, #tpu.memory_space<vmem>>
        %dma_start3A_389 = tpu.memref_squeeze %dma_start3A_388 : memref<1x128xi32, #tpu.memory_space<vmem>> -> memref<128xi32, #tpu.memory_space<vmem>>
        %dma_start3A_390 = arith.constant 0 : i32
        %dma_start3A_391 = arith.constant 0 : i32
        %dma_start3A_392 = tpu.memref_slice %arg3[%dma_start3A_390, %dma_start3A_391] : memref<1000000x16xf32, #tpu.memory_space<hbm>> -> memref<1000000x16xf32, #tpu.memory_space<hbm>>
        tpu.enqueue_indirect_dma source(%dma_start3A_392 : memref<1000000x16xf32, #tpu.memory_space<hbm>>) target(%dma_start3A_386 : memref<128x16xf32, #tpu.memory_space<vmem>>) offsets(%dma_start3A_389 : memref<128xi32, #tpu.memory_space<vmem>>) semaphore(%arg8 : memref<!tpu.dma_semaphore, #tpu.memory_space<semaphore_mem>>)
      } else {
      }
      %dma_wait3A_203 = arith.constant 1 : i32
      %dma_wait3A_204 = arith.constant 0 : i32
      %dma_wait3A_205 = arith.constant 0 : i32
      %dma_wait3A_206 = tpu.memref_slice %arg6[%dma_wait3A_203, %dma_wait3A_204, %dma_wait3A_205] : memref<2x1280x16xf32, #tpu.memory_space<vmem>> -> memref<1x1280x16xf32, #tpu.memory_space<vmem>>
      %dma_wait3A_207 = tpu.memref_squeeze %dma_wait3A_206 : memref<1x1280x16xf32, #tpu.memory_space<vmem>> -> memref<1280x16xf32, #tpu.memory_space<vmem>>
      %dma_wait3A_208 = arith.constant 0 : i32
      %dma_wait3A_209 = arith.constant 0 : i32
      %dma_wait3A_210 = tpu.memref_slice %arg3[%dma_wait3A_208, %dma_wait3A_209] : memref<1000000x16xf32, #tpu.memory_space<hbm>> -> memref<1280x16xf32, #tpu.memory_space<hbm>>
      %dma_wait3A_211 = arith.constant 0 : i32
      %dma_wait3A_212 = arith.constant 0 : i32
      %dma_wait3A_213 = tpu.memref_slice %arg6[%dma_wait3A_203, %dma_wait3A_211, %dma_wait3A_212] : memref<2x1280x16xf32, #tpu.memory_space<vmem>> -> memref<1x1280x16xf32, #tpu.memory_space<vmem>>
      %dma_wait3A_214 = tpu.memref_squeeze %dma_wait3A_213 : memref<1x1280x16xf32, #tpu.memory_space<vmem>> -> memref<1280x16xf32, #tpu.memory_space<vmem>>
      %dma_wait3A_215 = arith.constant 0 : i32
      %dma_wait3A_216 = arith.constant 0 : i32
      %dma_wait3A_217 = tpu.memref_slice %arg3[%dma_wait3A_215, %dma_wait3A_216] : memref<1000000x16xf32, #tpu.memory_space<hbm>> -> memref<1280x16xf32, #tpu.memory_space<hbm>>
      tpu.wait_dma2 semaphore(%arg9 : memref<!tpu.dma_semaphore, #tpu.memory_space<semaphore_mem>>) src(%dma_wait3A_217 : memref<1280x16xf32, #tpu.memory_space<hbm>>) dst(%dma_wait3A_214 : memref<1280x16xf32, #tpu.memory_space<vmem>>)
      %gt3A_218 = arith.constant 0 : i32
      %gt3A_219 = arith.cmpi sgt, %scan3A_146, %gt3A_218 : i32
      %convert_element_type3A_220 = arith.extui %gt3A_219 : i1 to i32
      %cond3A_221 = arith.constant 0 : i32
      %cond3A_222 = arith.cmpi ne, %convert_element_type3A_220, %cond3A_221 : i32
      scf.if %cond3A_222 {
        %dma_wait3A_241 = arith.constant 1 : i32
        %dma_wait3A_242 = arith.constant 0 : i32
        %dma_wait3A_243 = tpu.memref_slice %arg7[%dma_wait3A_241, %dma_wait3A_242] : memref<2x20480xf32, #tpu.memory_space<vmem>> -> memref<1x20480xf32, #tpu.memory_space<vmem>>
        %dma_wait3A_244 = tpu.memref_squeeze %dma_wait3A_243 : memref<1x20480xf32, #tpu.memory_space<vmem>> -> memref<20480xf32, #tpu.memory_space<vmem>>
        %dma_wait3A_245 = tpu.memref_slice %arg4[%mul3A_4] : memref<13107200xf32, #tpu.memory_space<hbm>> -> memref<20480xf32, #tpu.memory_space<hbm>>
        %dma_wait3A_246 = tpu.memref_slice %arg4[%mul3A_4] : memref<13107200xf32, #tpu.memory_space<hbm>> -> memref<20480xf32, #tpu.memory_space<hbm>>
        %dma_wait3A_247 = arith.constant 0 : i32
        %dma_wait3A_248 = tpu.memref_slice %arg7[%dma_wait3A_241, %dma_wait3A_247] : memref<2x20480xf32, #tpu.memory_space<vmem>> -> memref<1x20480xf32, #tpu.memory_space<vmem>>
        %dma_wait3A_249 = tpu.memref_squeeze %dma_wait3A_248 : memref<1x20480xf32, #tpu.memory_space<vmem>> -> memref<20480xf32, #tpu.memory_space<vmem>>
        tpu.wait_dma2 semaphore(%arg11 : memref<!tpu.dma_semaphore, #tpu.memory_space<semaphore_mem>>) src(%dma_wait3A_249 : memref<20480xf32, #tpu.memory_space<vmem>>) dst(%dma_wait3A_246 : memref<20480xf32, #tpu.memory_space<hbm>>)
      } else {
      }
      %scan3A_223 = arith.constant 0 : i32
      %scan3A_224 = arith.constant 0 : i32
      %scan3A_225 = arith.constant 1280 : i32
      %scan3A_226 = arith.addi %scan3A_224, %scan3A_225 : i32
      %scan3A_227 = arith.constant 8 : i32
      scf.for %scan3A_241 = %scan3A_224 to %scan3A_226 step %scan3A_227  : i32 {
        %get3A = arith.constant 1 : i32
        %get3A_242 = arith.index_cast %get3A : i32 to index
        %get3A_243 = arith.index_cast %scan3A_241 : i32 to index
        %get3A_244 = arith.constant 0 : index
        %get3A_245 = tpu.vector_load %arg6[%get3A_242, %get3A_243, %get3A_244] {strides = array<i32>} : memref<2x1280x16xf32, #tpu.memory_space<vmem>>, vector<1x1x16xf32>,
        %get3A_246 = vector.shape_cast %get3A_245 : vector<1x1x16xf32> to vector<16xf32>
        %mul3A_247 = arith.constant 16 : i32
        %mul3A_248 = arith.muli %scan3A_241, %mul3A_247 : i32
        %swap3A = arith.constant 1 : i32
        %swap3A_249 = arith.index_cast %swap3A : i32 to index
        %swap3A_250 = arith.index_cast %mul3A_248 : i32 to index
        %swap3A_251 = tpu.vector_load %arg7[%swap3A_249, %swap3A_250] {strides = array<i32>} : memref<2x20480xf32, #tpu.memory_space<vmem>>, vector<1x16xf32>,
        %swap3A_252 = vector.shape_cast %swap3A_251 : vector<1x16xf32> to vector<16xf32>
        %swap3A_253 = vector.shape_cast %get3A_246 : vector<16xf32> to vector<1x16xf32>
        tpu.vector_store %arg7[%swap3A_249, %swap3A_250], %swap3A_253 {strides = array<i32>} : memref<2x20480xf32, #tpu.memory_space<vmem>>, vector<1x16xf32>,
        %scan3A_254 = arith.constant 1 : i32
        %scan3A_255 = arith.addi %scan3A_241, %scan3A_254 : i32
        %get3A_256 = arith.constant 1 : i32
        %get3A_257 = arith.index_cast %get3A_256 : i32 to index
        %get3A_258 = arith.index_cast %scan3A_255 : i32 to index
        %get3A_259 = arith.constant 0 : index
        %get3A_260 = tpu.vector_load %arg6[%get3A_257, %get3A_258, %get3A_259] {strides = array<i32>} : memref<2x1280x16xf32, #tpu.memory_space<vmem>>, vector<1x1x16xf32>,
        %get3A_261 = vector.shape_cast %get3A_260 : vector<1x1x16xf32> to vector<16xf32>
        %mul3A_262 = arith.constant 16 : i32
        %mul3A_263 = arith.muli %scan3A_255, %mul3A_262 : i32
        %swap3A_264 = arith.constant 1 : i32
        %swap3A_265 = arith.index_cast %swap3A_264 : i32 to index
        %swap3A_266 = arith.index_cast %mul3A_263 : i32 to index
        %swap3A_267 = tpu.vector_load %arg7[%swap3A_265, %swap3A_266] {strides = array<i32>} : memref<2x20480xf32, #tpu.memory_space<vmem>>, vector<1x16xf32>,
        %swap3A_268 = vector.shape_cast %swap3A_267 : vector<1x16xf32> to vector<16xf32>
        %swap3A_269 = vector.shape_cast %get3A_261 : vector<16xf32> to vector<1x16xf32>
        tpu.vector_store %arg7[%swap3A_265, %swap3A_266], %swap3A_269 {strides = array<i32>} : memref<2x20480xf32, #tpu.memory_space<vmem>>, vector<1x16xf32>,
        %scan3A_270 = arith.constant 2 : i32
        %scan3A_271 = arith.addi %scan3A_241, %scan3A_270 : i32
        %get3A_272 = arith.constant 1 : i32
        %get3A_273 = arith.index_cast %get3A_272 : i32 to index
        %get3A_274 = arith.index_cast %scan3A_271 : i32 to index
        %get3A_275 = arith.constant 0 : index
        %get3A_276 = tpu.vector_load %arg6[%get3A_273, %get3A_274, %get3A_275] {strides = array<i32>} : memref<2x1280x16xf32, #tpu.memory_space<vmem>>, vector<1x1x16xf32>,
        %get3A_277 = vector.shape_cast %get3A_276 : vector<1x1x16xf32> to vector<16xf32>
        %mul3A_278 = arith.constant 16 : i32
        %mul3A_279 = arith.muli %scan3A_271, %mul3A_278 : i32
        %swap3A_280 = arith.constant 1 : i32
        %swap3A_281 = arith.index_cast %swap3A_280 : i32 to index
        %swap3A_282 = arith.index_cast %mul3A_279 : i32 to index
        %swap3A_283 = tpu.vector_load %arg7[%swap3A_281, %swap3A_282] {strides = array<i32>} : memref<2x20480xf32, #tpu.memory_space<vmem>>, vector<1x16xf32>,
        %swap3A_284 = vector.shape_cast %swap3A_283 : vector<1x16xf32> to vector<16xf32>
        %swap3A_285 = vector.shape_cast %get3A_277 : vector<16xf32> to vector<1x16xf32>
        tpu.vector_store %arg7[%swap3A_281, %swap3A_282], %swap3A_285 {strides = array<i32>} : memref<2x20480xf32, #tpu.memory_space<vmem>>, vector<1x16xf32>,
        %scan3A_286 = arith.constant 3 : i32
        %scan3A_287 = arith.addi %scan3A_241, %scan3A_286 : i32
        %get3A_288 = arith.constant 1 : i32
        %get3A_289 = arith.index_cast %get3A_288 : i32 to index
        %get3A_290 = arith.index_cast %scan3A_287 : i32 to index
        %get3A_291 = arith.constant 0 : index
        %get3A_292 = tpu.vector_load %arg6[%get3A_289, %get3A_290, %get3A_291] {strides = array<i32>} : memref<2x1280x16xf32, #tpu.memory_space<vmem>>, vector<1x1x16xf32>,
        %get3A_293 = vector.shape_cast %get3A_292 : vector<1x1x16xf32> to vector<16xf32>
        %mul3A_294 = arith.constant 16 : i32
        %mul3A_295 = arith.muli %scan3A_287, %mul3A_294 : i32
        %swap3A_296 = arith.constant 1 : i32
        %swap3A_297 = arith.index_cast %swap3A_296 : i32 to index
        %swap3A_298 = arith.index_cast %mul3A_295 : i32 to index
        %swap3A_299 = tpu.vector_load %arg7[%swap3A_297, %swap3A_298] {strides = array<i32>} : memref<2x20480xf32, #tpu.memory_space<vmem>>, vector<1x16xf32>,
        %swap3A_300 = vector.shape_cast %swap3A_299 : vector<1x16xf32> to vector<16xf32>
        %swap3A_301 = vector.shape_cast %get3A_293 : vector<16xf32> to vector<1x16xf32>
        tpu.vector_store %arg7[%swap3A_297, %swap3A_298], %swap3A_301 {strides = array<i32>} : memref<2x20480xf32, #tpu.memory_space<vmem>>, vector<1x16xf32>,
        %scan3A_302 = arith.constant 4 : i32
        %scan3A_303 = arith.addi %scan3A_241, %scan3A_302 : i32
        %get3A_304 = arith.constant 1 : i32
        %get3A_305 = arith.index_cast %get3A_304 : i32 to index
        %get3A_306 = arith.index_cast %scan3A_303 : i32 to index
        %get3A_307 = arith.constant 0 : index
        %get3A_308 = tpu.vector_load %arg6[%get3A_305, %get3A_306, %get3A_307] {strides = array<i32>} : memref<2x1280x16xf32, #tpu.memory_space<vmem>>, vector<1x1x16xf32>,
        %get3A_309 = vector.shape_cast %get3A_308 : vector<1x1x16xf32> to vector<16xf32>
        %mul3A_310 = arith.constant 16 : i32
        %mul3A_311 = arith.muli %scan3A_303, %mul3A_310 : i32
        %swap3A_312 = arith.constant 1 : i32
        %swap3A_313 = arith.index_cast %swap3A_312 : i32 to index
        %swap3A_314 = arith.index_cast %mul3A_311 : i32 to index
        %swap3A_315 = tpu.vector_load %arg7[%swap3A_313, %swap3A_314] {strides = array<i32>} : memref<2x20480xf32, #tpu.memory_space<vmem>>, vector<1x16xf32>,
        %swap3A_316 = vector.shape_cast %swap3A_315 : vector<1x16xf32> to vector<16xf32>
        %swap3A_317 = vector.shape_cast %get3A_309 : vector<16xf32> to vector<1x16xf32>
        tpu.vector_store %arg7[%swap3A_313, %swap3A_314], %swap3A_317 {strides = array<i32>} : memref<2x20480xf32, #tpu.memory_space<vmem>>, vector<1x16xf32>,
        %scan3A_318 = arith.constant 5 : i32
        %scan3A_319 = arith.addi %scan3A_241, %scan3A_318 : i32
        %get3A_320 = arith.constant 1 : i32
        %get3A_321 = arith.index_cast %get3A_320 : i32 to index
        %get3A_322 = arith.index_cast %scan3A_319 : i32 to index
        %get3A_323 = arith.constant 0 : index
        %get3A_324 = tpu.vector_load %arg6[%get3A_321, %get3A_322, %get3A_323] {strides = array<i32>} : memref<2x1280x16xf32, #tpu.memory_space<vmem>>, vector<1x1x16xf32>,
        %get3A_325 = vector.shape_cast %get3A_324 : vector<1x1x16xf32> to vector<16xf32>
        %mul3A_326 = arith.constant 16 : i32
        %mul3A_327 = arith.muli %scan3A_319, %mul3A_326 : i32
        %swap3A_328 = arith.constant 1 : i32
        %swap3A_329 = arith.index_cast %swap3A_328 : i32 to index
        %swap3A_330 = arith.index_cast %mul3A_327 : i32 to index
        %swap3A_331 = tpu.vector_load %arg7[%swap3A_329, %swap3A_330] {strides = array<i32>} : memref<2x20480xf32, #tpu.memory_space<vmem>>, vector<1x16xf32>,
        %swap3A_332 = vector.shape_cast %swap3A_331 : vector<1x16xf32> to vector<16xf32>
        %swap3A_333 = vector.shape_cast %get3A_325 : vector<16xf32> to vector<1x16xf32>
        tpu.vector_store %arg7[%swap3A_329, %swap3A_330], %swap3A_333 {strides = array<i32>} : memref<2x20480xf32, #tpu.memory_space<vmem>>, vector<1x16xf32>,
        %scan3A_334 = arith.constant 6 : i32
        %scan3A_335 = arith.addi %scan3A_241, %scan3A_334 : i32
        %get3A_336 = arith.constant 1 : i32
        %get3A_337 = arith.index_cast %get3A_336 : i32 to index
        %get3A_338 = arith.index_cast %scan3A_335 : i32 to index
        %get3A_339 = arith.constant 0 : index
        %get3A_340 = tpu.vector_load %arg6[%get3A_337, %get3A_338, %get3A_339] {strides = array<i32>} : memref<2x1280x16xf32, #tpu.memory_space<vmem>>, vector<1x1x16xf32>,
        %get3A_341 = vector.shape_cast %get3A_340 : vector<1x1x16xf32> to vector<16xf32>
        %mul3A_342 = arith.constant 16 : i32
        %mul3A_343 = arith.muli %scan3A_335, %mul3A_342 : i32
        %swap3A_344 = arith.constant 1 : i32
        %swap3A_345 = arith.index_cast %swap3A_344 : i32 to index
        %swap3A_346 = arith.index_cast %mul3A_343 : i32 to index
        %swap3A_347 = tpu.vector_load %arg7[%swap3A_345, %swap3A_346] {strides = array<i32>} : memref<2x20480xf32, #tpu.memory_space<vmem>>, vector<1x16xf32>,
        %swap3A_348 = vector.shape_cast %swap3A_347 : vector<1x16xf32> to vector<16xf32>
        %swap3A_349 = vector.shape_cast %get3A_341 : vector<16xf32> to vector<1x16xf32>
        tpu.vector_store %arg7[%swap3A_345, %swap3A_346], %swap3A_349 {strides = array<i32>} : memref<2x20480xf32, #tpu.memory_space<vmem>>, vector<1x16xf32>,
        %scan3A_350 = arith.constant 7 : i32
        %scan3A_351 = arith.addi %scan3A_241, %scan3A_350 : i32
        %get3A_352 = arith.constant 1 : i32
        %get3A_353 = arith.index_cast %get3A_352 : i32 to index
        %get3A_354 = arith.index_cast %scan3A_351 : i32 to index
        %get3A_355 = arith.constant 0 : index
        %get3A_356 = tpu.vector_load %arg6[%get3A_353, %get3A_354, %get3A_355] {strides = array<i32>} : memref<2x1280x16xf32, #tpu.memory_space<vmem>>, vector<1x1x16xf32>,
        %get3A_357 = vector.shape_cast %get3A_356 : vector<1x1x16xf32> to vector<16xf32>
        %mul3A_358 = arith.constant 16 : i32
        %mul3A_359 = arith.muli %scan3A_351, %mul3A_358 : i32
        %swap3A_360 = arith.constant 1 : i32
        %swap3A_361 = arith.index_cast %swap3A_360 : i32 to index
        %swap3A_362 = arith.index_cast %mul3A_359 : i32 to index
        %swap3A_363 = tpu.vector_load %arg7[%swap3A_361, %swap3A_362] {strides = array<i32>} : memref<2x20480xf32, #tpu.memory_space<vmem>>, vector<1x16xf32>,
        %swap3A_364 = vector.shape_cast %swap3A_363 : vector<1x16xf32> to vector<16xf32>
        %swap3A_365 = vector.shape_cast %get3A_357 : vector<16xf32> to vector<1x16xf32>
        tpu.vector_store %arg7[%swap3A_361, %swap3A_362], %swap3A_365 {strides = array<i32>} : memref<2x20480xf32, #tpu.memory_space<vmem>>, vector<1x16xf32>,
      }
      %scan3A_228 = arith.constant 1280 : i32
      %mul3A_229 = arith.constant 20480 : i32
      %mul3A_230 = arith.muli %add3A_195, %mul3A_229 : i32
      %add3A_231 = arith.addi %mul3A_4, %mul3A_230 : i32
      %dma_start3A_232 = arith.constant 1 : i32
      %dma_start3A_233 = arith.constant 0 : i32
      %dma_start3A_234 = tpu.memref_slice %arg7[%dma_start3A_232, %dma_start3A_233] : memref<2x20480xf32, #tpu.memory_space<vmem>> -> memref<1x20480xf32, #tpu.memory_space<vmem>>
      %dma_start3A_235 = tpu.memref_squeeze %dma_start3A_234 : memref<1x20480xf32, #tpu.memory_space<vmem>> -> memref<20480xf32, #tpu.memory_space<vmem>>
      %dma_start3A_236 = tpu.memref_slice %arg4[%add3A_231] : memref<13107200xf32, #tpu.memory_space<hbm>> -> memref<20480xf32, #tpu.memory_space<hbm>>
      %dma_start3A_237 = tpu.memref_slice %arg4[%add3A_231] : memref<13107200xf32, #tpu.memory_space<hbm>> -> memref<20480xf32, #tpu.memory_space<hbm>>
      %dma_start3A_238 = arith.constant 0 : i32
      %dma_start3A_239 = tpu.memref_slice %arg7[%dma_start3A_232, %dma_start3A_238] : memref<2x20480xf32, #tpu.memory_space<vmem>> -> memref<1x20480xf32, #tpu.memory_space<vmem>>
      %dma_start3A_240 = tpu.memref_squeeze %dma_start3A_239 : memref<1x20480xf32, #tpu.memory_space<vmem>> -> memref<20480xf32, #tpu.memory_space<vmem>>
      tpu.enqueue_dma source(%dma_start3A_240 : memref<20480xf32, #tpu.memory_space<vmem>>) target(%dma_start3A_237 : memref<20480xf32, #tpu.memory_space<hbm>>) target_semaphore(%arg11 : memref<!tpu.dma_semaphore, #tpu.memory_space<semaphore_mem>>)
    }
    %scan3A_128 = arith.constant 10 : i32
    %dma_wait3A = arith.constant 0 : i32
    %dma_wait3A_129 = arith.constant 0 : i32
    %dma_wait3A_130 = tpu.memref_slice %arg7[%dma_wait3A, %dma_wait3A_129] : memref<2x20480xf32, #tpu.memory_space<vmem>> -> memref<1x20480xf32, #tpu.memory_space<vmem>>
    %dma_wait3A_131 = tpu.memref_squeeze %dma_wait3A_130 : memref<1x20480xf32, #tpu.memory_space<vmem>> -> memref<20480xf32, #tpu.memory_space<vmem>>
    %dma_wait3A_132 = tpu.memref_slice %arg4[%mul3A_4] : memref<13107200xf32, #tpu.memory_space<hbm>> -> memref<20480xf32, #tpu.memory_space<hbm>>
    %dma_wait3A_133 = tpu.memref_slice %arg4[%mul3A_4] : memref<13107200xf32, #tpu.memory_space<hbm>> -> memref<20480xf32, #tpu.memory_space<hbm>>
    %dma_wait3A_134 = arith.constant 0 : i32
    %dma_wait3A_135 = tpu.memref_slice %arg7[%dma_wait3A, %dma_wait3A_134] : memref<2x20480xf32, #tpu.memory_space<vmem>> -> memref<1x20480xf32, #tpu.memory_space<vmem>>
    %dma_wait3A_136 = tpu.memref_squeeze %dma_wait3A_135 : memref<1x20480xf32, #tpu.memory_space<vmem>> -> memref<20480xf32, #tpu.memory_space<vmem>>
    tpu.wait_dma2 semaphore(%arg10 : memref<!tpu.dma_semaphore, #tpu.memory_space<semaphore_mem>>) src(%dma_wait3A_136 : memref<20480xf32, #tpu.memory_space<vmem>>) dst(%dma_wait3A_133 : memref<20480xf32, #tpu.memory_space<hbm>>)
    %dma_wait3A_137 = arith.constant 1 : i32
    %dma_wait3A_138 = arith.constant 0 : i32
    %dma_wait3A_139 = tpu.memref_slice %arg7[%dma_wait3A_137, %dma_wait3A_138] : memref<2x20480xf32, #tpu.memory_space<vmem>> -> memref<1x20480xf32, #tpu.memory_space<vmem>>
    %dma_wait3A_140 = tpu.memref_squeeze %dma_wait3A_139 : memref<1x20480xf32, #tpu.memory_space<vmem>> -> memref<20480xf32, #tpu.memory_space<vmem>>
    %dma_wait3A_141 = tpu.memref_slice %arg4[%mul3A_4] : memref<13107200xf32, #tpu.memory_space<hbm>> -> memref<20480xf32, #tpu.memory_space<hbm>>
    %dma_wait3A_142 = tpu.memref_slice %arg4[%mul3A_4] : memref<13107200xf32, #tpu.memory_space<hbm>> -> memref<20480xf32, #tpu.memory_space<hbm>>
    %dma_wait3A_143 = arith.constant 0 : i32
    %dma_wait3A_144 = tpu.memref_slice %arg7[%dma_wait3A_137, %dma_wait3A_143] : memref<2x20480xf32, #tpu.memory_space<vmem>> -> memref<1x20480xf32, #tpu.memory_space<vmem>>
    %dma_wait3A_145 = tpu.memref_squeeze %dma_wait3A_144 : memref<1x20480xf32, #tpu.memory_space<vmem>> -> memref<20480xf32, #tpu.memory_space<vmem>>
    tpu.wait_dma2 semaphore(%arg11 : memref<!tpu.dma_semaphore, #tpu.memory_space<semaphore_mem>>) src(%dma_wait3A_145 : memref<20480xf32, #tpu.memory_space<vmem>>) dst(%dma_wait3A_142 : memref<20480xf32, #tpu.memory_space<hbm>>)
    return
  }
}

module attributes {stable_mosaic.version = 14 : i64} {
  func.func @_proj_block(%arg0: i32, %arg1: memref<2048x128xf32, #tpu.memory_space<vmem>>, %arg2: memref<128x512xf32, #tpu.memory_space<vmem>>, %arg3: memref<2048x512xf32, #tpu.memory_space<vmem>>) attributes {dimension_semantics = [#tpu.dimension_semantics<arbitrary>], iteration_bounds = array<i64: 50>, scalar_prefetch = 0 : i64, scratch_operands = 0 : i64, tpu.core_type = #tpu.core_type<tc>, window_params = [{transform_indices = @transform_0, window_bounds = array<i64: 2048, 128>}, {pipeline_mode = #tpu.pipeline_mode<synchronous>, transform_indices = @transform_1, window_bounds = array<i64: 128, 512>}, {transform_indices = @transform_2, window_bounds = array<i64: 2048, 512>}]} {
    %get3A = arith.constant 0 : index
    %get3A_0 = arith.constant 0 : index
    %get3A_1 = vector.load %arg1[%get3A, %get3A_0] : memref<2048x128xf32, #tpu.memory_space<vmem>>, vector<2048x128xf32>
    %get3A_2 = arith.constant 0 : index
    %get3A_3 = arith.constant 0 : index
    %get3A_4 = vector.load %arg2[%get3A_2, %get3A_3] : memref<128x512xf32, #tpu.memory_space<vmem>>, vector<128x512xf32>
    %dot_general3A = arith.constant dense<0.000000e+00> : vector<2048x512xf32>
    %dot_general3A_5 = tpu.matmul %get3A_1, %get3A_4, %dot_general3A {dimension_numbers = #tpu.dot_dimension_numbers<[1], [0], [0], [1], [0, 0, 1, 1], [], []>, transpose_lhs_hint = false} : vector<2048x128xf32>, vector<128x512xf32>, vector<2048x512xf32> -> vector<2048x512xf32>
    %swap3A = arith.constant 0 : index
    %swap3A_6 = arith.constant 0 : index
    %swap3A_7 = vector.load %arg3[%swap3A, %swap3A_6] : memref<2048x512xf32, #tpu.memory_space<vmem>>, vector<2048x512xf32>
    tpu.vector_store %arg3[%swap3A, %swap3A_6], %dot_general3A_5 {strides = array<i32>} : memref<2048x512xf32, #tpu.memory_space<vmem>>, vector<2048x512xf32>,
    return
  }
  func.func @transform_0(%arg0: i32) -> (i32, i32) {
    %c0_i32 = arith.constant 0 : i32
    %c0_i32_0 = arith.constant 0 : i32
    return %arg0, %c0_i32 : i32, i32
  }
  func.func @transform_1(%arg0: i32) -> (i32, i32) {
    %c0_i32 = arith.constant 0 : i32
    %c0_i32_0 = arith.constant 0 : i32
    %c0_i32_1 = arith.constant 0 : i32
    return %c0_i32, %c0_i32_0 : i32, i32
  }
  func.func @transform_2(%arg0: i32) -> (i32, i32) {
    %c0_i32 = arith.constant 0 : i32
    %c0_i32_0 = arith.constant 0 : i32
    return %arg0, %c0_i32 : i32, i32
  }
}

</mosaic_0001>

<sc_bundles>
// kernel: kernel.4.cloned.1.call-start
scs
__scs_entry_jumppad:
0x0: {  	(pc) =	sbr.rel $0x88, $3  }
0x1: {  	(tag) =	ssettag $0x0;
	lr =	simm.s32 $0x1  }
0x2: {  	[smem:$0x3F9E] =	sst lr;
	_ =	strace $0xD0000000  }
0x3: {  	_ = 	snop  }
0x4: {  	_ = 	snop  }
0x5: {  	_ = 	snop  }
0x6: {  	_ = 	snop  }
0x7: {  	_ = 	snop  }
__scs_overlays_trampoline_lowered:
0x8: {  	[smem:$0x3FAD] =	sst s0  }
0x9: {  	[smem:$0x3FAE] =	sst s1  }
0xa: {  	[smem:$0x3FAF] =	sst s2  }
0xb: {  	[smem:$0x3FB0] =	sst s3  }
0xc: {  	[smem:$0x3FB1] =	sst s4  }
0xd: {  	[smem:$0x3FB2] =	sst s5  }
0xe: {  	[smem:$0x3FB3] =	sst s6  }
0xf: {  	[smem:$0x3FB4] =	sst s7  }
0x10: {  	[smem:$0x3FB5] =	sst s8  }
0x11: {  	[smem:$0x3FB6] =	sst s9;
	s0 =	simm.s32 @!p0 $0x0  }
0x12: {  	s1 =	sld [smem:$0x3F9C];
	s0 =	simm.s32 @p0 $0x1  }
0x13: {  	[smem:$0x3FB7] =	sst s0;
	s0 =	simm.s32 @!p1 $0x0  }
0x14: {  	s2 =	sld [smem:$0x3F9B];
	s0 =	simm.s32 @p1 $0x1  }
0x15: {  	[smem:$0x3FB8] =	sst s0;
	s0 =	simm.s32 @!p2 $0x0  }
0x16: {  	s3 =	sld [smem:$0x3FDB];
	s0 =	simm.s32 @p2 $0x1  }
0x17: {  	s4 =	simm.s32 $0x1BF5;
	[smem:$0x3FBA] =	sst s0  }
0x18: {  	s0 =	sld [smem:$0x3F9D];
	_ =	swait.ge [sflag:s4], $0x0  }
0x19: {  	s7 =	sld [smem:$0x3F9E]  }
0x1a: {  	s8 =	sadd.s32 $0xFFFFE003, lr  }
0x1b: {  	s9 =	sadd.s32 $0xFFFFFEF7, lr;
	s5 =	simm.s32 $0xFFFFFFFF;
	p2 =	slt.u32 s8, $0xFFFFF086  }
0x1c: {  	p1 =	slt.u32 s9, $0xF7A;
	s5 =	simm.s32 @!p2 $0x0  }
0x1d: {  	s5 =	simm.s32 @p1 $0x1;
	p0 =	seq.s32 s7, s2  }
0x1e: {  	s7 =	smul.u32 @!p0 $0xF7A, s2;
	p2 =	seq.s32 @!p0 s5, $0x0  }
0x1f: {  	s9 =	smul.u32 $0xF7A, s1;
	s8 =	simm.s32 @!p0 $0x1BF5;
	p2 =	por !p2, p0  }
0x20: {  	[sflag:s8] =	ssyncset.s32 @!p0 $0xFFFFF086;
	s6 =	sadd.s32 @!p0 s3, s7;
	s7 =	simm.s32 @!p0 $0x108  }
0x21: {  	s3 =	sadd.s32 s3, s9;
	s6 =	sadd.s32 @!p0 $0x88, s6;
	s7 =	simm.s32 @p2 $0x1082  }
0x22: {  	[simem:s7], [sflag:s8] =	dma.local @!p0 [hbm:s6], $0xF7A  }
0x23: {  	s9 =	sor.u32 $0xD0000000, s2;
	s6 =	simm.s32 $0x108;
	_ =	swait.ge @!p0 [sflag:s8], $0x0  }
0x24: {  	s3 =	sadd.s32 $0x88, s3;
	s6 =	simm.s32 @!p1 $0x1082;
	[sflag:s4] =	ssyncset.s32 $0xFFFFF086  }
0x25: {  	[simem:s6], [sflag:s4] =	dma.local [hbm:s3], $0xF7A  }
0x26: {  	[smem:$0x3F9E] =	sst s1;
	(tag) =	ssettag s2;
	_ =	strace s9  }
0x27: {  	s1 =	sld [smem:$0x3FAE]  }
0x28: {  	s2 =	sld [smem:$0x3FAF]  }
0x29: {  	s4 =	sld [smem:$0x3FB1]  }
0x2a: {  	p0 =	seq.s32 s5, $0x0;
	s5 =	sld [smem:$0x3FB2]  }
0x2b: {  	s6 =	sld [smem:$0x3FB3]  }
0x2c: {  	s7 =	sld [smem:$0x3FB4]  }
0x2d: {  	s3 =	simm.s32 $0x108;
	s8 =	sld [smem:$0x3FB5]  }
0x2e: {  	s3 =	simm.s32 @!p0 $0x1082;
	s9 =	sld [smem:$0x3FB6]  }
0x2f: {  	lr =	sadd.s32 s0, s3;
	s0 =	sld [smem:$0x3FAD]  }
0x30: {  	s3 =	sld [smem:$0x3FB0]  }
0x31: {  	[smem:$0x3FB9] =	sst s10  }
0x32: {  	s10 =	sld [smem:$0x3FB7];
	_ =	sdelay $0x3  }
0x33: {  	p0 =	seq.s32 s10, $0x1;
	s10 =	sld [smem:$0x3FB9];
	_ =	sdelay $0x3  }
0x34: {  	[smem:$0x3FB9] =	sst s10  }
0x35: {  	s10 =	sld [smem:$0x3FB8];
	_ =	sdelay $0x3  }
0x36: {  	p1 =	seq.s32 s10, $0x1;
	s10 =	sld [smem:$0x3FB9];
	_ =	sdelay $0x3  }
0x37: {  	[smem:$0x3FB9] =	sst s10  }
0x38: {  	s10 =	sld [smem:$0x3FBA]  }
0x39: {  	_ = 	snop;
	(pc) =	sbr.ind lr, $3  }
0x3a: {  	_ = 	snop  }
0x3b: {  	_ = 	snop  }
0x3c: {  	p2 =	seq.s32 s10, $0x1;
	s10 =	sld [smem:$0x3FB9]  }
0x3d: {  	_ =	shalt  }
0x3e: {  	_ =	shalt  }
0x3f: {  	_ =	shalt  }
0x40: {  	_ =	shalt  }
0x41: {  	_ =	shalt  }
0x42: {  	_ =	shalt  }
0x43: {  	_ =	shalt  }
0x44: {  	_ =	shalt  }
0x45: {  	_ =	shalt  }
0x46: {  	_ =	shalt  }
0x47: {  	_ =	shalt  }
0x48: {  	_ =	shalt  }
0x49: {  	_ =	shalt  }
0x4a: {  	_ =	shalt  }
0x4b: {  	_ =	shalt  }
0x4c: {  	_ =	shalt  }
0x4d: {  	_ =	shalt  }
0x4e: {  	_ =	shalt  }
0x4f: {  	_ =	shalt  }
0x50: {  	_ =	shalt  }
0x51: {  	_ =	shalt  }
0x52: {  	_ =	shalt  }
0x53: {  	_ =	shalt  }
0x54: {  	_ =	shalt  }
0x55: {  	_ =	shalt  }
0x56: {  	_ =	shalt  }
0x57: {  	_ =	shalt  }
0x58: {  	_ =	shalt  }
0x59: {  	_ =	shalt  }
0x5a: {  	_ =	shalt  }
0x5b: {  	_ =	shalt  }
0x5c: {  	_ =	shalt  }
0x5d: {  	_ =	shalt  }
0x5e: {  	_ =	shalt  }
0x5f: {  	_ =	shalt  }
0x60: {  	_ =	shalt  }
0x61: {  	_ =	shalt  }
0x62: {  	_ =	shalt  }
0x63: {  	_ =	shalt  }
0x64: {  	_ =	shalt  }
0x65: {  	_ =	shalt  }
0x66: {  	_ =	shalt  }
0x67: {  	_ =	shalt  }
0x68: {  	_ =	shalt  }
0x69: {  	_ =	shalt  }
0x6a: {  	_ =	shalt  }
0x6b: {  	_ =	shalt  }
0x6c: {  	_ =	shalt  }
0x6d: {  	_ =	shalt  }
0x6e: {  	_ =	shalt  }
0x6f: {  	_ =	shalt  }
0x70: {  	_ =	shalt  }
0x71: {  	_ =	shalt  }
0x72: {  	_ =	shalt  }
0x73: {  	_ =	shalt  }
0x74: {  	_ =	shalt  }
0x75: {  	_ =	shalt  }
0x76: {  	_ =	shalt  }
0x77: {  	_ =	shalt  }
0x78: {  	_ =	shalt  }
0x79: {  	_ =	shalt  }
0x7a: {  	_ =	shalt  }
0x7b: {  	_ =	shalt  }
0x7c: {  	_ =	shalt  }
0x7d: {  	_ =	shalt  }
0x7e: {  	_ =	shalt  }
0x7f: {  	_ =	shalt  }
0x80: {  	_ =	shalt  }
0x81: {  	_ =	shalt  }
0x82: {  	_ =	shalt  }
0x83: {  	_ =	shalt  }
0x84: {  	_ =	shalt  }
0x85: {  	_ =	shalt  }
0x86: {  	_ =	shalt  }
0x87: {  	_ =	shalt  }
.Lfunc_end0:
.L_simem_size_0:
called_computation.1_lowered:
.L_overlay_start_0:
0x88: {  	s2 =	sld [smem:$0x3FD9]  }
0x89: {  	s3 =	sld [smem:$0x3FFE];
	_ =	sdelay $0x1  }
0x8a: {  	s1 =	srdreg.scid  }
0x8b: {  	s0 =	sand.u32 $0x1, s1  }
0x8c: {  	s17 =	sshll.u32 s0, $0xA;
	s2 =	sadd.s32 s3, s2  }
0x8d: {  	s2 =	sadd.s32 s2, s17  }
0x8e: {  	[smem:$0x3FC5] =	sst s2  }
0x8f: {  	_ = 	snop  }
0x90: {  	s2 =	sld [smem:$0x3FD0];
	(tm) =	ssettm $0x1  }
0x91: {  	s18 =	sld [smem:$0x3FFB];
	_ =	sdelay $0x3  }
0x92: {  	_ =	strace s18  }
0x93: {  	s3 =	sld [smem:$0x3FFC];
	_ =	sdelay $0x3  }
0x94: {  	_ =	strace s3  }
0x95: {  	s3 =	sld [smem:$0x3FFD];
	_ =	sdelay $0x3  }
0x96: {  	_ =	strace s3  }
0x97: {  	_ =	strace $0x8FFFFFFF  }
0x98: {  	s19 =	sld [smem:$0x3FDB];
	_ =	sdelay $0x1  }
0x99: {  	s4 =	simm.s32 $_scs_section_size  }
0x9a: {  	s5 =	simm.s32 $_size__tile_overlayer_lowered;
	s6 =	simm.s32 $_tile_overlayer_lowered  }
0x9b: {  	s22 =	simm.s32 $0x1BFF;
	s21 =	sshll.u32 s6, $0x1;
	s3 =	sadd.s32 s4, s19  }
0x9c: {  	s7 =	simm.s32 $0x0;
	s20 =	sshll.u32 s5, $0x1;
	s5 =	sadd.s32 s21, s3  }
0x9d: {  	[timem:s7], [sflag:s22] =	dma.local [hbm:s5], s20  }
0x9e: {  	_ =	swait.ge [sflag:s22], s20  }
0x9f: {  	s4 =	ssub.s32 $0x0, s20;
	[sflag:s22] =	ssyncset.done $0x0  }
0xa0: {  	[sflag:s22] =	ssyncadd.s32 s4;
	_ =	sdelay $0x1  }
0xa1: {  	s23 =	simm.s32 $0x1B8B  }
0xa2: {  	_ =	swait.ge [sflag:s23], $0x1  }
0xa3: {  	[sflag:s23] =	ssyncset.done $0x0  }
0xa4: {  	s25 =	simm.s32 $0x1B8E;
	s24 =	sld [smem:$0x3FFE];
	[sflag:s23] =	ssyncadd.s32 $0xFFFFFFFF  }
0xa5: {  	s26 =	simm.s32 $execute0_lowered;
	[smem:$0x3FD2] =	sst s25  }
0xa6: {  	s5 =	sshll.u32 s26, $0x1;
	_ =	strace $0x80000046;
	[dreg:$0x1] =	wrdreg $0xFFFFFFFF  }
0xa7: {  	s28 =	simm.s32 $_size_execute0_lowered;
	s3 =	sadd.s32 s3, s5;
	[dreg:$0x0] =	wrdreg $0x0  }
0xa8: {  	s5 =	sshll.u32 s28, $0x1;
	[dreg:$0x2] =	wrdreg s3  }
0xa9: {  	[dreg:$0x3] =	wrdreg s5  }
0xaa: {  	[dreg:$0x4] =	wrdreg $0xC0  }
0xab: {  	_ =	task [dreg:s7], $0x5FFFF  }
0xac: {  	[dreg:$0x1] =	wrdreg $0xFFFFFFFF  }
0xad: {  	[dreg:$0x0] =	wrdreg $0x60  }
0xae: {  	[dreg:$0x2] =	wrdreg s24  }
0xaf: {  	[dreg:$0x3] =	wrdreg s2  }
0xb0: {  	[dreg:$0x4] =	wrdreg $0x9  }
0xb1: {  	_ =	task.clear_ibuf [dreg:s7], $0x5FFFF;
	_ =	strace $0x90000046  }
0xb2: {  	s29 =	simm.s32 $0x9;
	_ =	strace $0x80000048  }
0xb3: {  	_ =	swait.ge [sflag:s29], $0x1  }
0xb4: {  	[sflag:s29] =	ssyncadd.s32 $0xFFFFFFFF  }
0xb5: {  	_ =	strace $0x90000048  }
0xb6: {  	_ =	sfence  }
0xb7: {  	s30 =	sld [smem:$0x0];
	_ =	sdelay $0x2  }
0xb8: {  	s31 =	sshll.u32 s1, $0xD;
	s1 =	sshrl.u32 s1, $0x2  }
0xb9: {  	s3 =	sand.u32 $0x4000, s31;
	s1 =	sadd.s32 s1, s30  }
0xba: {  	s0 =	sor.u32 s3, s0;
	s1 =	sshll.u32 s1, $0x11  }
0xbb: {  	s0 =	sor.u32 s1, s0  }
0xbc: {  	s0 =	sadd.s32 $0x8F2B, s0  }
0xbd: {  	[sflag:s0] =	ssyncadd.remote.s32 $0x1  }
0xbe: {  	_ =	sfence.sel $0xFFFF  }
0xbf: {  	[dreg:$0x0] =	wrdreg $0xFFFFFFFF;
	(pc) =	sbr.abs _section_cstart, $3  }
0xc0: {  	[dreg:$0x1] =	wrdreg $0xFFFFFFFF  }
0xc1: {  	_ =	task.clear_ibuf [dreg:s7], $0x2FFFF;
	_ =	strace $0x9FFFFFFF  }
0xc2: {  	(tm) =	ssettm $0x7FFFFFFF  }
0xc3: {  	_ =	shalt  }
tec
execute0_lowered:
.L_overlay_start_1:
0x0: {  	(tag) =	ssettag $0x1  }
0x1: {  	s0 =	srdreg.scid  }
0x2: {  	s2 =	stileid.u32;
	s1 =	rddreg [dreg:$0x0];
	s9 =	simm.s32 $0x80  }
0x3: {  	s19 =	simm.s32 $0x8C00;
	s21 =	simm.s32 $0x9400;
	s23 =	simm.s32 $0x9C00  }
0x4: {  	s25 =	simm.s32 $0xA400;
	s28 =	simm.s32 $0xAC00;
	s29 =	simm.s32 $0xB400  }
0x5: {  	s30 =	simm.s32 $0xBC00;
	s31 =	simm.s32 $0xC400;
	s12 =	simm.s32 $0xDC00  }
0x6: {  	s14 =	simm.s32 $0xE400;
	s16 =	simm.s32 $0xEC00;
	s18 =	simm.s32 $0xF400  }
0x7: {  	s20 =	simm.s32 $0xFC00;
	s22 =	simm.s32 $0x1;
	s24 =	simm.s32 $0x10400  }
0x8: {  	s10 =	simm.s32 $0x0;
	s0 =	sand.u32 $0x1, s0;
	s3 =	sshll.u32 s2, $0x1  }
0x9: {  	s2 =	rddreg [dreg:$0x1];
	s5 =	sor.u32 s0, s3;
	s3 =	simm.s32 $0x0  }
0xa: {  	s0 =	ssub.s32 $0x2, s0;
	s4 =	smul.u32 $0xC80, s5;
	[smem:$0x7FF] =	sst s3  }
0xb: {  	s7 =	sshrl.u32 s0, $0x1;
	s5 =	smul.u32 $0x64000, s5;
	_ =	strace $0x80000047  }
0xc: {  	s0 =	ssub.s32 s0, s7;
	s7 =	simm.s32 $0x15400;
	s6 =	sadd.s32 s4, s1  }
0xd: {  	s4 =	sadd.s32 $0x19A00, s1;
	s0 =	smax.u32 s0, $0x1;
	s1 =	simm.s32 $0xCC00  }
0xe: {  	s26 =	sadd.s32 $0xA00, s6;
	[dreg:$0x4] =	wrdreg s0;
	s0 =	simm.s32 $0xD400  }
0xf: {  	s6 =	simm.s32 $0x4;
	[dreg:$0x3] =	wrdreg s26;
	s26 =	simm.s32 $0x2  }
.LBB2_1:
0x10: {  	[dreg:$0x5] =	wrdreg s10  }
0x11: {  	s8 =	rddreg [dreg:$0x3];
	s10 =	simm.s32 $0x5  }
0x12: {  	[tilespmem:s3], [sflag:$0x5] =	stream.linear.gather [hbm4b:s8+s3], $0x6400, $0x38;
	[tilespmem:$0x1A400] =	vst v63  }
0x13: {  	_ =	swait.ge [sflag:s10], $0x6400  }
0x14: {  	[sflag:s10] =	ssyncset.done $0x0  }
0x15: {  	s11 =	simm.s32 $0x6400;
	[sflag:s10] =	ssyncadd.s32 $0xFFFF9C00  }
0x16: {  	[tilespmem:s11], [sflag:$0x1] =	stream.indirect.gather [hbm4b:s2+s9], $0x10, s3, s9, $0xb8;
	[tilespmem:$0x1A400] =	vst v63  }
0x17: {  	s13 =	simm.s32 $0x6C00  }
0x18: {  	[tilespmem:s13], [sflag:$0x1] =	stream.indirect.gather [hbm4b:s2+s9], $0x10, s9, s9, $0xb8;
	[tilespmem:$0x1A400] =	vst v63  }
0x19: {  	s15 =	simm.s32 $0x100;
	s17 =	simm.s32 $0x7400  }
0x1a: {  	[tilespmem:s17], [sflag:$0x1] =	stream.indirect.gather [hbm4b:s2+s9], $0x10, s15, s9, $0xb8;
	[tilespmem:$0x1A400] =	vst v63  }
0x1b: {  	s11 =	simm.s32 $0x180;
	s13 =	simm.s32 $0x7C00  }
0x1c: {  	[tilespmem:s13], [sflag:$0x1] =	stream.indirect.gather [hbm4b:s2+s9], $0x10, s11, s9, $0xb8;
	[tilespmem:$0x1A400] =	vst v63  }
0x1d: {  	s15 =	simm.s32 $0x200;
	s17 =	simm.s32 $0x8400  }
0x1e: {  	[tilespmem:s17], [sflag:$0x1] =	stream.indirect.gather [hbm4b:s2+s9], $0x10, s15, s9, $0xb8;
	[tilespmem:$0x1A400] =	vst v63  }
0x1f: {  	s10 =	simm.s32 $0x280  }
0x20: {  	[tilespmem:s19], [sflag:$0x1] =	stream.indirect.gather [hbm4b:s2+s9], $0x10, s10, s9, $0xb8;
	[tilespmem:$0x1A400] =	vst v63  }
0x21: {  	s11 =	simm.s32 $0x300  }
0x22: {  	[tilespmem:s21], [sflag:$0x1] =	stream.indirect.gather [hbm4b:s2+s9], $0x10, s11, s9, $0xb8;
	[tilespmem:$0x1A400] =	vst v63  }
0x23: {  	s13 =	simm.s32 $0x380  }
0x24: {  	[tilespmem:s23], [sflag:$0x1] =	stream.indirect.gather [hbm4b:s2+s9], $0x10, s13, s9, $0xb8;
	[tilespmem:$0x1A400] =	vst v63  }
0x25: {  	s15 =	simm.s32 $0x400  }
0x26: {  	[tilespmem:s25], [sflag:$0x1] =	stream.indirect.gather [hbm4b:s2+s9], $0x10, s15, s9, $0xb8;
	[tilespmem:$0x1A400] =	vst v63  }
0x27: {  	s8 =	simm.s32 $0x0;
	s17 =	simm.s32 $0x480  }
0x28: {  	[tilespmem:s28], [sflag:$0x1] =	stream.indirect.gather [hbm4b:s2+s9], $0x10, s17, s9, $0xb8;
	[tilespmem:$0x1A400] =	vst v63  }
.LBB2_2:
0x29: {  	s10 =	sshllo.u32 s8, $0x1  }
0x2a: {  	s11 =	smul.u32 $0x1400, s10;
	_ =	sdelay $0x1  }
0x2b: {  	s11 =	sshra.s32 s11, $0x2  }
0x2c: {  	[tilespmem:s29], [sflag:$0x2] =	stream.indirect.gather [hbm4b:s2+s9], $0x10, s11, s9, $0xb8;
	[tilespmem:$0x1A400] =	vst v63  }
0x2d: {  	s13 =	sor.u32 $0x80, s11  }
0x2e: {  	[tilespmem:s30], [sflag:$0x2] =	stream.indirect.gather [hbm4b:s2+s9], $0x10, s13, s9, $0xb8;
	[tilespmem:$0x1A400] =	vst v63  }
0x2f: {  	s15 =	sadd.s32 $0x100, s11  }
0x30: {  	[tilespmem:s31], [sflag:$0x2] =	stream.indirect.gather [hbm4b:s2+s9], $0x10, s15, s9, $0xb8;
	[tilespmem:$0x1A400] =	vst v63  }
0x31: {  	s17 =	sadd.s32 $0x180, s11  }
0x32: {  	[tilespmem:s1], [sflag:$0x2] =	stream.indirect.gather [hbm4b:s2+s9], $0x10, s17, s9, $0xb8;
	[tilespmem:$0x1A400] =	vst v63  }
0x33: {  	s15 =	sadd.s32 $0x200, s11  }
0x34: {  	[tilespmem:s0], [sflag:$0x2] =	stream.indirect.gather [hbm4b:s2+s9], $0x10, s15, s9, $0xb8;
	[tilespmem:$0x1A400] =	vst v63  }
0x35: {  	s17 =	sadd.s32 $0x280, s11  }
0x36: {  	[tilespmem:s12], [sflag:$0x2] =	stream.indirect.gather [hbm4b:s2+s9], $0x10, s17, s9, $0xb8;
	[tilespmem:$0x1A400] =	vst v63  }
0x37: {  	s15 =	sadd.s32 $0x300, s11  }
0x38: {  	[tilespmem:s14], [sflag:$0x2] =	stream.indirect.gather [hbm4b:s2+s9], $0x10, s15, s9, $0xb8;
	[tilespmem:$0x1A400] =	vst v63  }
0x39: {  	s17 =	sadd.s32 $0x380, s11  }
0x3a: {  	[tilespmem:s16], [sflag:$0x2] =	stream.indirect.gather [hbm4b:s2+s9], $0x10, s17, s9, $0xb8;
	[tilespmem:$0x1A400] =	vst v63  }
0x3b: {  	s15 =	sadd.s32 $0x400, s11  }
0x3c: {  	[tilespmem:s18], [sflag:$0x2] =	stream.indirect.gather [hbm4b:s2+s9], $0x10, s15, s9, $0xb8;
	[tilespmem:$0x1A400] =	vst v63  }
0x3d: {  	s11 =	sadd.s32 $0x480, s11  }
0x3e: {  	[tilespmem:s20], [sflag:$0x2] =	stream.indirect.gather [hbm4b:s2+s9], $0x10, s11, s9, $0xb8;
	[tilespmem:$0x1A400] =	vst v63  }
0x3f: {  	_ =	swait.ge [sflag:s22], $0x5000  }
0x40: {  	p0 =	seq.s32 s8, $0x0;
	[sflag:s22] =	ssyncset.done $0x0  }
0x41: {  	s11 =	simm.s32 @!p0 $0x3;
	[sflag:s22] =	ssyncadd.s32 $0xFFFFB000  }
0x42: {  	_ =	swait.ge @!p0 [sflag:s11], $0x5000  }
0x43: {  	[sflag:s11] =	ssyncset.done @!p0 $0x0  }
0x44: {  	s17 =	simm.s32 $0x6440;
	[sflag:s11] =	ssyncadd.s32 @!p0 $0xFFFFB000  }
0x45: {  	v0 =	vld [tilespmem:s17+$0xFFFFFFC0];
	_ =	sdelay $0x3  }
0x46: {  	s11 =	simm.s32 $0x10440  }
0x47: {  	[tilespmem:s11+$0xFFFFFFC0] =	vst v0  }
0x48: {  	v0 =	vld [tilespmem:s17+$0xFFFFFFD0];
	_ =	sdelay $0x4  }
0x49: {  	[tilespmem:s11+$0xFFFFFFD0] =	vst v0  }
0x4a: {  	v0 =	vld [tilespmem:s17+$0xFFFFFFE0];
	_ =	sdelay $0x4  }
0x4b: {  	[tilespmem:s11+$0xFFFFFFE0] =	vst v0  }
0x4c: {  	v0 =	vld [tilespmem:s17+$0xFFFFFFF0];
	_ =	sdelay $0x4  }
0x4d: {  	[tilespmem:s11+$0xFFFFFFF0] =	vst v0  }
0x4e: {  	v0 =	vld [tilespmem:s17+$0x0];
	_ =	sdelay $0x4  }
0x4f: {  	[tilespmem:s11+$0x0] =	vst v0  }
0x50: {  	v0 =	vld [tilespmem:s17+$0x10];
	_ =	sdelay $0x4  }
0x51: {  	[tilespmem:s11+$0x10] =	vst v0  }
0x52: {  	v0 =	vld [tilespmem:s17+$0x20];
	_ =	sdelay $0x4  }
0x53: {  	[tilespmem:s11+$0x20] =	vst v0  }
0x54: {  	v0 =	vld [tilespmem:s17+$0x30];
	_ =	sdelay $0x4  }
0x55: {  	s13 =	simm.s32 $0x0;
	s15 =	simm.s32 $0x64C0;
	[tilespmem:s11+$0x30] =	vst v0  }
.LBB2_3:
0x56: {  	v0 =	vld [tilespmem:s15+$0xFFFFFFC0];
	s13 =	sadd.s32 $0x8, s13  }
0x57: {  	p1 =	slt.u32 s13, $0x4F8;
	_ =	sdelay $0x2  }
0x58: {  	s11 =	sadd.s32 $0x80, s11  }
0x59: {  	[tilespmem:s11+$0xFFFFFFC0] =	vst v0  }
0x5a: {  	v0 =	vld [tilespmem:s15+$0xFFFFFFD0];
	_ =	sdelay $0x4  }
0x5b: {  	[tilespmem:s11+$0xFFFFFFD0] =	vst v0  }
0x5c: {  	v0 =	vld [tilespmem:s15+$0xFFFFFFE0];
	_ =	sdelay $0x4  }
0x5d: {  	[tilespmem:s11+$0xFFFFFFE0] =	vst v0  }
0x5e: {  	v0 =	vld [tilespmem:s15+$0xFFFFFFF0];
	_ =	sdelay $0x4  }
0x5f: {  	[tilespmem:s11+$0xFFFFFFF0] =	vst v0  }
0x60: {  	v0 =	vld [tilespmem:s15+$0x0];
	_ =	sdelay $0x4  }
0x61: {  	[tilespmem:s11+$0x0] =	vst v0  }
0x62: {  	v0 =	vld [tilespmem:s15+$0x10];
	_ =	sdelay $0x4  }
0x63: {  	[tilespmem:s11+$0x10] =	vst v0  }
0x64: {  	v0 =	vld [tilespmem:s15+$0x20];
	_ =	sdelay $0x4  }
0x65: {  	[tilespmem:s11+$0x20] =	vst v0  }
0x66: {  	v0 =	vld [tilespmem:s15+$0x30]  }
.Ltmp0:
0x67: {  	(pc) =	sbr.rel @p1 .LBB2_3-.Ltmp0, $2  }
0x68: {  	_ =	sdelay $0x2  }
0x69: {  	s15 =	sadd.s32 $0x80, s15;
	[tilespmem:s11+$0x30] =	vst v0  }
0x6a: {  	s11 =	smul.u32 $0xA000, s8;
	p1 =	sne.s32 s8, $0x9  }
.Ltmp1:
0x6b: {  	_ = 	snop;
	(pc) =	sbr.rel @p1 .LBB2_6-.Ltmp1, $4  }
0x6c: {  	s11 =	sadd.s32 s5, s11  }
0x6d: {  	s11 =	sshrl.u32 s11, $0x3  }
0x6e: {  	s11 =	sadd.s32 s4, s11  }
0x6f: {  	[hbm4b:s11+s3] =	stream.linear.scatter [tilespmem:s24], [sflag:$0x3], $0x5000, $0x38;
	[tilespmem:$0x1A400] =	vst v63  }
.Ltmp2:
0x70: {  	(pc) =	sbr.rel .LBB2_7-.Ltmp2, $4  }
0x71: {  	_ = 	snop  }
0x72: {  	_ =	swait.ge [sflag:s26], $0x5000  }
0x73: {  	[sflag:s26] =	ssyncset.done $0x0  }
0x74: {  	[sflag:s26] =	ssyncadd.s32 $0xFFFFB000  }
.LBB2_6:
0x75: {  	s11 =	smul.u32 $0x2800, s8;
	_ =	sdelay $0x1  }
0x76: {  	s11 =	sshra.s32 s11, $0x2  }
0x77: {  	s15 =	simm.s32 $0x6400;
	s13 =	sadd.s32 $0xA00, s11  }
0x78: {  	[tilespmem:s15], [sflag:$0x1] =	stream.indirect.gather [hbm4b:s2+s9], $0x10, s13, s9, $0xb8;
	[tilespmem:$0x1A400] =	vst v63  }
0x79: {  	s17 =	simm.s32 $0x6C00;
	s15 =	sadd.s32 $0xA80, s11  }
0x7a: {  	[tilespmem:s17], [sflag:$0x1] =	stream.indirect.gather [hbm4b:s2+s9], $0x10, s15, s9, $0xb8;
	[tilespmem:$0x1A400] =	vst v63  }
0x7b: {  	s15 =	sadd.s32 $0xB00, s11;
	s17 =	simm.s32 $0x7400  }
0x7c: {  	[tilespmem:s17], [sflag:$0x1] =	stream.indirect.gather [hbm4b:s2+s9], $0x10, s15, s9, $0xb8;
	[tilespmem:$0x1A400] =	vst v63  }
0x7d: {  	s15 =	sadd.s32 $0xB80, s11;
	s17 =	simm.s32 $0x7C00  }
0x7e: {  	[tilespmem:s17], [sflag:$0x1] =	stream.indirect.gather [hbm4b:s2+s9], $0x10, s15, s9, $0xb8;
	[tilespmem:$0x1A400] =	vst v63  }
0x7f: {  	s15 =	sadd.s32 $0xC00, s11;
	s17 =	simm.s32 $0x8400  }
0x80: {  	[tilespmem:s17], [sflag:$0x1] =	stream.indirect.gather [hbm4b:s2+s9], $0x10, s15, s9, $0xb8;
	[tilespmem:$0x1A400] =	vst v63  }
0x81: {  	s15 =	sadd.s32 $0xC80, s11  }
0x82: {  	[tilespmem:s19], [sflag:$0x1] =	stream.indirect.gather [hbm4b:s2+s9], $0x10, s15, s9, $0xb8;
	[tilespmem:$0x1A400] =	vst v63  }
0x83: {  	s17 =	sadd.s32 $0xD00, s11  }
0x84: {  	[tilespmem:s21], [sflag:$0x1] =	stream.indirect.gather [hbm4b:s2+s9], $0x10, s17, s9, $0xb8;
	[tilespmem:$0x1A400] =	vst v63  }
0x85: {  	s15 =	sadd.s32 $0xD80, s11  }
0x86: {  	[tilespmem:s23], [sflag:$0x1] =	stream.indirect.gather [hbm4b:s2+s9], $0x10, s15, s9, $0xb8;
	[tilespmem:$0x1A400] =	vst v63  }
0x87: {  	s17 =	sadd.s32 $0xE00, s11  }
0x88: {  	[tilespmem:s25], [sflag:$0x1] =	stream.indirect.gather [hbm4b:s2+s9], $0x10, s17, s9, $0xb8;
	[tilespmem:$0x1A400] =	vst v63  }
.Ltmp3:
0x89: {  	s11 =	sadd.s32 $0xE80, s11;
	(pc) =	sbr.rel @p0 .LBB2_8-.Ltmp3, $4  }
0x8a: {  	[tilespmem:s28], [sflag:$0x1] =	stream.indirect.gather [hbm4b:s2+s9], $0x10, s11, s9, $0xb8;
	[tilespmem:$0x1A400] =	vst v63  }
0x8b: {  	_ =	swait.ge [sflag:s26], $0x5000  }
0x8c: {  	[sflag:s26] =	ssyncset.done $0x0  }
0x8d: {  	[sflag:s26] =	ssyncadd.s32 $0xFFFFB000  }
.LBB2_7:
0x8e: {  	_ =	swait.ge [sflag:s6], $0x5000  }
0x8f: {  	[sflag:s6] =	ssyncset.done $0x0  }
0x90: {  	[sflag:s6] =	ssyncadd.s32 $0xFFFFB000  }
.LBB2_8:
0x91: {  	s11 =	simm.s32 $0x0  }
0x92: {  	v4 =	vld [tilespmem:s11+$0xB470]  }
0x93: {  	v5 =	vld [tilespmem:s11+$0xB400]  }
0x94: {  	v3 =	vld [tilespmem:s11+$0xB410]  }
0x95: {  	v1 =	vld [tilespmem:s11+$0xB420]  }
0x96: {  	v0 =	vld [tilespmem:s11+$0xB430]  }
0x97: {  	v2 =	vld [tilespmem:s11+$0xB440];
	[tilespmem:s11+$0x15470] =	vst v4  }
0x98: {  	s13 =	simm.s32 $0x0;
	s15 =	simm.s32 $0x200;
	[tilespmem:s11+$0x15400] =	vst v5;
	v4 =	vld [tilespmem:s11+$0xB450]  }
.LBB2_9:
0x99: {  	s17 =	sshra.s32 s15, $0x2;
	s13 =	sadd.s32 $0x8, s13;
	[tilespmem:s11+$0x15410] =	vst v3;
	v5 =	vld [tilespmem:s11+$0xB460]  }
0x9a: {  	v6 =	vld [tilespmem:s17+$0xB470];
	p0 =	slt.u32 s13, $0x4F8;
	[tilespmem:s11+$0x15420] =	vst v1  }
0x9b: {  	v7 =	vld [tilespmem:s17+$0xB400];
	[tilespmem:s11+$0x15430] =	vst v0  }
.Ltmp4:
0x9c: {  	v3 =	vld [tilespmem:s17+$0xB410];
	[tilespmem:s11+$0x15440] =	vst v2;
	(pc) =	sbr.rel @p0 .LBB2_9-.Ltmp4, $4  }
0x9d: {  	v1 =	vld [tilespmem:s17+$0xB420];
	[tilespmem:s11+$0x15450] =	vst v4  }
0x9e: {  	v0 =	vld [tilespmem:s17+$0xB430];
	[tilespmem:s11+$0x15460] =	vst v5;
	s11 =	smov.u32 s17  }
0x9f: {  	v2 =	vld [tilespmem:s11+$0xB440];
	[tilespmem:s11+$0x15470] =	vst v6  }
0xa0: {  	s15 =	sadd.s32 $0x200, s15;
	[tilespmem:s11+$0x15400] =	vst v7;
	v4 =	vld [tilespmem:s11+$0xB450]  }
0xa1: {  	[tilespmem:s11+$0x15410] =	vst v3;
	v63 =	vld [tilespmem:s11+$0xB460];
	s8 =	sadd.s32 $0x1, s8  }
0xa2: {  	s10 =	smul.u32 $0x5000, s10;
	[tilespmem:s11+$0x15420] =	vst v1;
	p0 =	sne.s32 s8, $0xA  }
.Ltmp5:
0xa3: {  	[tilespmem:s11+$0x15430] =	vst v0;
	(pc) =	sbr.rel @p0 .LBB2_2-.Ltmp5, $4  }
0xa4: {  	s10 =	sadd.s32 s5, s10;
	[tilespmem:s11+$0x15440] =	vst v2  }
0xa5: {  	s10 =	sshrl.u32 s10, $0x3;
	[tilespmem:s11+$0x15450] =	vst v4  }
0xa6: {  	s10 =	sadd.s32 s4, s10;
	[tilespmem:s11+$0x15460] =	vst v63  }
0xa7: {  	[hbm4b:s10+s3] =	stream.linear.scatter [tilespmem:s7], [sflag:$0x4], $0x5000, $0x38;
	[tilespmem:$0x1A400] =	vst v63  }
0xa8: {  	s8 =	simm.s32 $0x3  }
0xa9: {  	_ =	swait.ge [sflag:s8], $0x5000  }
0xaa: {  	[sflag:s8] =	ssyncset.done $0x0  }
0xab: {  	[sflag:s8] =	ssyncadd.s32 $0xFFFFB000  }
0xac: {  	_ =	swait.ge [sflag:s6], $0x5000  }
0xad: {  	s10 =	rddreg [dreg:$0x5]  }
0xae: {  	s17 =	rddreg [dreg:$0x4];
	s10 =	sadd.s32 $0x1, s10  }
0xaf: {  	p0 =	sne.s32 s10, s17  }
.Ltmp6:
0xb0: {  	_ = 	snop;
	(pc) =	sbr.rel @p0 .LBB2_1-.Ltmp6, $3  }
0xb1: {  	_ =	sdelay $0x1  }
0xb2: {  	[sflag:s6] =	ssyncset.done $0x0  }
0xb3: {  	[sflag:s6] =	ssyncadd.s32 $0xFFFFB000  }
0xb4: {  	_ =	sfence.sel $0x180000  }
0xb5: {  	[bflag:$0x0] =	sbarrier.arrive $0xFFFF  }
0xb6: {  	_ =	strace $0x90000047  }
0xb7: {  	s0 =	stileid.u32;
	[bflag:$0x2] =	sbarrier.arrive $0xFFFF  }
0xb8: {  	p0 =	sne.s32 s0, $0x0;
	s0 =	rddreg [dreg:$0x2]  }
0xb9: {  	s0 =	sadd.s32 @!p0 $0x100000, s0  }
0xba: {  	[sflag:s0] =	ssyncadd.tile.s32 @!p0 $0x1;
	_ =	shalt  }
.Lfunc_end2:
_tile_overlayer_lowered:
.L_overlay_start_2:
0xbb: {  	(tag) =	ssettag $0x2  }
0xbc: {  	s0 =	rddreg [dreg:$0x0];
	s2 =	stileid.u32  }
0xbd: {  	s1 =	rddreg [dreg:$0x1];
	p0 =	sne.s32 s2, $0x0  }
0xbe: {  	s3 =	rddreg [dreg:$0x2];
	[bflag:$0x3] =	sbarrier.arrive $0xFFFF;
	s2 =	simm.s32 @!p0 $0x1C05  }
0xbf: {  	[timem:s3], [sflag:s2] =	dma.local @!p0 [hbm:s0], s1  }
0xc0: {  	s0 =	simm.s32 @!p0 $0x5  }
0xc1: {  	_ =	swait.ge @!p0 [sflag:s0], s1  }
0xc2: {  	s1 =	ssub.s32 @!p0 $0x0, s1;
	[sflag:s0] =	ssyncset.done @!p0 $0x0  }
0xc3: {  	[sflag:s0] =	ssyncadd.s32 @!p0 s1  }
0xc4: {  	[bflag:$0x3] =	sbarrier.arrive $0xFFFF  }
0xc5: {  	_ =	shalt  }

// kernel: sparse-core-data-format-call.cloned.1.call-start
scs
called_computation_lowered:
.L_overlay_start_0:
0x0: {  	s2 =	sld [smem:$0x3FD9]  }
0x1: {  	s3 =	sld [smem:$0x3FFE];
	_ =	sdelay $0x1  }
0x2: {  	s1 =	srdreg.scid  }
0x3: {  	s0 =	sand.u32 $0x1, s1  }
0x4: {  	s18 =	sshll.u32 s0, $0xA;
	s2 =	sadd.s32 s3, s2  }
0x5: {  	s2 =	sadd.s32 s2, s18  }
0x6: {  	[smem:$0x3FC5] =	sst s2  }
0x7: {  	_ = 	snop  }
0x8: {  	s2 =	sld [smem:$0x3FD0];
	(tm) =	ssettm $0x1  }
0x9: {  	s19 =	sld [smem:$0x3FFB];
	_ =	sdelay $0x3  }
0xa: {  	_ =	strace s19  }
0xb: {  	s3 =	sld [smem:$0x3FFC];
	_ =	sdelay $0x3  }
0xc: {  	_ =	strace s3  }
0xd: {  	s3 =	sld [smem:$0x3FFD];
	_ =	sdelay $0x3  }
0xe: {  	_ =	strace s3  }
0xf: {  	_ =	strace $0x8FFFFFFF  }
0x10: {  	s20 =	sld [smem:$0x3FDB];
	_ =	sdelay $0x1  }
0x11: {  	s4 =	simm.s32 $_scs_section_size  }
0x12: {  	s5 =	simm.s32 $_size__tile_overlayer_lowered;
	s6 =	simm.s32 $_tile_overlayer_lowered  }
0x13: {  	s23 =	simm.s32 $0x1BFF;
	s22 =	sshll.u32 s6, $0x1;
	s3 =	sadd.s32 s4, s20  }
0x14: {  	s7 =	simm.s32 $0x0;
	s21 =	sshll.u32 s5, $0x1;
	s5 =	sadd.s32 s22, s3  }
0x15: {  	[timem:s7], [sflag:s23] =	dma.local [hbm:s5], s21  }
0x16: {  	_ =	swait.ge [sflag:s23], s21  }
0x17: {  	s4 =	ssub.s32 $0x0, s21;
	[sflag:s23] =	ssyncset.done $0x0  }
0x18: {  	[sflag:s23] =	ssyncadd.s32 s4;
	_ =	sdelay $0x1  }
0x19: {  	s24 =	simm.s32 $0x1B8B  }
0x1a: {  	_ =	swait.ge [sflag:s24], $0x1  }
0x1b: {  	[sflag:s24] =	ssyncset.done $0x0  }
0x1c: {  	s26 =	simm.s32 $0x1B8E;
	s25 =	sld [smem:$0x3FFE];
	[sflag:s24] =	ssyncadd.s32 $0xFFFFFFFF  }
0x1d: {  	s27 =	simm.s32 $execute0_lowered;
	[smem:$0x3FD2] =	sst s26  }
0x1e: {  	s5 =	sshll.u32 s27, $0x1;
	_ =	strace $0x80000049;
	[dreg:$0x1] =	wrdreg $0xFFFFFFFF  }
0x1f: {  	s28 =	simm.s32 $_size_execute0_lowered;
	s3 =	sadd.s32 s3, s5;
	[dreg:$0x0] =	wrdreg $0x0  }
0x20: {  	s5 =	sshll.u32 s28, $0x1;
	[dreg:$0x2] =	wrdreg s3  }
0x21: {  	[dreg:$0x3] =	wrdreg s5  }
0x22: {  	[dreg:$0x4] =	wrdreg $0xC0  }
0x23: {  	_ =	task [dreg:s7], $0x5FFFF  }
0x24: {  	[dreg:$0x1] =	wrdreg $0xFFFFFFFF  }
0x25: {  	[dreg:$0x0] =	wrdreg $0x60  }
0x26: {  	[dreg:$0x2] =	wrdreg s25  }
0x27: {  	[dreg:$0x3] =	wrdreg s2  }
0x28: {  	[dreg:$0x4] =	wrdreg $0x9  }
0x29: {  	_ =	task.clear_ibuf [dreg:s7], $0x5FFFF;
	_ =	strace $0x90000049  }
0x2a: {  	s29 =	simm.s32 $0x9;
	_ =	strace $0x8000004B  }
0x2b: {  	_ =	swait.ge [sflag:s29], $0x1  }
0x2c: {  	[sflag:s29] =	ssyncadd.s32 $0xFFFFFFFF  }
0x2d: {  	_ =	strace $0x9000004B  }
0x2e: {  	_ =	sfence  }
0x2f: {  	s30 =	sld [smem:$0x0];
	_ =	sdelay $0x2  }
0x30: {  	s31 =	sshll.u32 s1, $0xD;
	s1 =	sshrl.u32 s1, $0x2  }
0x31: {  	s3 =	sand.u32 $0x4000, s31;
	s1 =	sadd.s32 s1, s30  }
0x32: {  	s0 =	sor.u32 s3, s0;
	s1 =	sshll.u32 s1, $0x11  }
0x33: {  	s0 =	sor.u32 s1, s0  }
0x34: {  	s0 =	sadd.s32 $0x8F2B, s0  }
0x35: {  	[sflag:s0] =	ssyncadd.remote.s32 $0x1  }
0x36: {  	_ =	sfence.sel $0xFFFF  }
0x37: {  	[dreg:$0x0] =	wrdreg $0xFFFFFFFF;
	(pc) =	sbr.abs _section_cstart, $3  }
0x38: {  	[dreg:$0x1] =	wrdreg $0xFFFFFFFF  }
0x39: {  	_ =	task.clear_ibuf [dreg:s7], $0x2FFFF;
	_ =	strace $0x9FFFFFFF  }
0x3a: {  	(tm) =	ssettm $0x7FFFFFFF  }
0x3b: {  	_ =	shalt  }
tec
execute0_lowered:
.L_overlay_start_1:
0x0: {  	(tag) =	ssettag $0x1  }
0x1: {  	s0 =	srdreg.scid  }
0x2: {  	s1 =	sshll.u32 s0, $0x4  }
0x3: {  	s0 =	stileid.u32;
	s1 =	sand.u32 $0x10, s1  }
0x4: {  	s1 =	sor.u32 s0, s1  }
0x5: {  	s6 =	rddreg [dreg:$0x0];
	s4 =	simm.s32 $0x1;
	s2 =	sshll.u32 s1, $0x7  }
0x6: {  	s7 =	simm.s32 $0x2;
	s12 =	simm.s32 $0x0;
	s1 =	ssub.s32 $0x4000, s2  }
0x7: {  	s8 =	simm.s32 $0x20000;
	s13 =	simm.s32 $0x0;
	s3 =	sand.u32 $0xF80, s1  }
0x8: {  	s9 =	simm.s32 $0x0;
	s5 =	sshrl.u32 s1, $0xC;
	p0 =	sne.s32 s3, $0x0  }
.Ltmp0:
0x9: {  	s1 =	rddreg [dreg:$0x2];
	s4 =	simm.s32 @!p0 $0x0;
	(pc) =	sbr.rel .LBB1_1-.Ltmp0, $4  }
0xa: {  	s11 =	simm.s32 $0x0;
	s3 =	rddreg [dreg:$0x1];
	s5 =	sadd.s32 s4, s5  }
0xb: {  	_ =	strace $0x8000004A;
	s4 =	simm.s32 $0x1;
	s5 =	smul.u32 $0x32, s5  }
0xc: {  	s6 =	sadd.s32 $0xA00, s6;
	s10 =	smov.u32 s2;
	[sflag:s4] =	ssyncpa.u1 $0x0  }
0xd: {  	p0 =	por $0x0, $0x0;
	[sflag:s7] =	ssyncpa.u1 $0x0;
	s7 =	sor.u32 $0x1, s5  }
.LBB1_4:
0xe: {  	s16 =	sshll.u32 s13, $0x3;
	s17 =	sand.u32 $0x78, s13  }
0xf: {  	s30 =	sand.u32 $0x1F800, s13;
	s12 =	sshll.u32 s12, $0x11;
	s16 =	sand.u32 $0x3C00, s16  }
0x10: {  	[tilespmem:s15+$0x810 ss:$0x81] =	vst.msk $0xffff, v2;
	s31 =	sand.u32 $0x7, s13;
	s16 =	sor.u32 s17, s16;
	s17 =	sadd.s32 s3, s30  }
0x11: {  	[tilespmem:s15+$0x1020 ss:$0x81] =	vst.msk $0xffff, v0;
	s13 =	sshll.u32 s31, $0x12;
	s12 =	sadd.s32 s12, s17;
	s16 =	sshrl.u32 s16, $0x3  }
0x12: {  	[tilespmem:s15+$0x0 ss:$0x81] =	vst.msk $0xffff, v1;
	s13 =	sor.u32 $0x400, s13;
	s12 =	sadd.s32 s16, s12  }
0x13: {  	[hbm4b:s12+s13] =	stream.strided.scatter [tilespmem:s14], [sflag:$0x2], $0x2000, s8, s13, $0x20;
	[tilespmem:$0x8080] =	vst v63  }
.LBB1_5:
0x14: {  	s14 =	sadd.s32 $0x1, s9  }
0x15: {  	s12 =	sadd.s32 $0x1000, s10;
	s16 =	smov.u32 s10;
	p2 =	sgt.s32 s14, $0x31  }
0x16: {  	s16 =	smov.u32 @p2 s12  }
0x17: {  	s14 =	simm.s32 @p2 $0x0;
	p2 =	sgt.s32 s16, $0x3FFF  }
0x18: {  	s16 =	smov.u32 @p2 s2;
	p2 =	sne.s32 s11, s7  }
.Ltmp1:
0x19: {  	p1 =	slt.u32 s11, $0x2;
	(pc) =	sbr.rel @!p2 .LBB1_6-.Ltmp1, $4  }
0x1a: {  	s15 =	simm.s32 @!p1 $0x2  }
0x1b: {  	s13 =	smov.u32 s10;
	p0 =	por !p0, !p0;
	_ =	swait.ge @!p1 [sflag:s15], $0x2000  }
0x1c: {  	s12 =	smov.u32 s9;
	[sflag:s15] =	ssyncset.done @!p1 $0x0;
	s9 =	smov.u32 s14  }
0x1d: {  	s11 =	sadd.s32 $0x1, s11;
	[sflag:s15] =	ssyncadd.s32 @!p1 $0xFFFFE000;
	s10 =	smov.u32 s16  }
.LBB1_1:
0x1e: {  	p1 =	sge.u32 s11, s5  }
0x1f: {  	s14 =	sand.u32 @!p1 $0x1FFFFFF, s9  }
0x20: {  	s15 =	smulhi.u32 @!p1 $0x4924925, s14;
	_ =	sdelay $0x1  }
0x21: {  	s15 =	smul.u32 @!p1 $0x38, s15  }
0x22: {  	s16 =	sxor.u32 @!p1 $0xFFFFFFFF, s11;
	s17 =	smul.u32 @!p1 $0x380, s10  }
0x23: {  	s31 =	sadd.s32 $0xFFFFFFFF, s11;
	s16 =	sshll.u32 @!p1 s16, $0xD;
	s14 =	ssub.s32 @!p1 s14, s15  }
0x24: {  	s15 =	sand.u32 @!p1 $0x2000, s16;
	s16 =	sadd.s32 @!p1 s6, s17;
	s14 =	sshll.u32 @!p1 s14, $0x4  }
0x25: {  	s17 =	simm.s32 @!p1 $0x1C00;
	s14 =	sadd.s32 @!p1 s14, s16;
	s16 =	simm.s32 @!p1 $0x40  }
0x26: {  	[tilespmem:s15], [sflag:$0x1] =	stream.strided.gather @!p1 [hbm4b:s14+s16], $0x2000, s17, s16, $0x38;
	[tilespmem:$0x8080] =	vst v63  }
0x27: {  	p1 =	sge.u32 s31, s5  }
.Ltmp2:
0x28: {  	_ = 	snop;
	(pc) =	sbr.rel @p1 .LBB1_5-.Ltmp2, $1  }
0x29: {  	_ =	sdelay $0x3  }
0x2a: {  	s14 =	simm.s32 $0x1  }
0x2b: {  	_ =	swait.ge [sflag:s4], $0x2000;
	s14 =	simm.s32 @!p0 $0x0  }
0x2c: {  	[sflag:s4] =	ssyncset.done $0x0;
	s15 =	sshll.u32 s14, $0xD  }
0x2d: {  	[sflag:s4] =	ssyncadd.s32 $0xFFFFE000;
	s18 =	sor.u32 $0x20, s15  }
0x2e: {  	s14 =	smul.u32 $0x8100, s14;
	v3 =	vld [tilespmem:s18+$0x10]  }
0x2f: {  	s30 =	sand.u32 $0x1, s11;
	v2 =	vld [tilespmem:s18+$0xFFFFFFF0]  }
0x30: {  	s15 =	smul.u32 $0x8100, s30;
	s14 =	sshrl.u32 s14, $0x2;
	v0 =	vld [tilespmem:s18+$0x0]  }
0x31: {  	v1 =	vld [tilespmem:s18+$0xFFFFFFE0];
	s16 =	sor.u32 $0x4000, s14  }
0x32: {  	s31 =	sshrl.u32 s15, $0x2;
	s15 =	sadd.s32 $0x0, s16  }
0x33: {  	s17 =	simm.s32 $0x4;
	s18 =	sadd.s32 $0x40, s18;
	s14 =	sor.u32 $0x4000, s31;
	[tilespmem:s15+$0x1830 ss:$0x81] =	vst.msk $0xffff, v3  }
.LBB1_3:
0x34: {  	v3 =	vld [tilespmem:s18+$0x10];
	p1 =	sne.s32 s17, $0x1FC;
	[tilespmem:s15+$0x810 ss:$0x81] =	vst.msk $0xffff, v2;
	s19 =	smov.u32 s17;
	s17 =	sadd.s32 $0x4, s17  }
.Ltmp3:
0x35: {  	v2 =	vld [tilespmem:s18+$0xFFFFFFF0];
	[tilespmem:s15+$0x1020 ss:$0x81] =	vst.msk $0xffff, v0;
	(pc) =	sbr.rel @p1 .LBB1_3-.Ltmp3, $4  }
0x36: {  	v0 =	vld [tilespmem:s18+$0x0];
	[tilespmem:s15+$0x0 ss:$0x81] =	vst.msk $0xffff, v1  }
0x37: {  	s15 =	sshra.s32 s19, $0x2;
	v1 =	vld [tilespmem:s18+$0xFFFFFFE0]  }
0x38: {  	s15 =	sadd.s32 s15, s16  }
0x39: {  	s18 =	sadd.s32 $0x40, s18;
	[tilespmem:s15+$0x1830 ss:$0x81] =	vst.msk $0xffff, v3  }
.Ltmp4:
0x3a: {  	_ = 	snop;
	(pc) =	sbr.rel .LBB1_4-.Ltmp4, $1  }
0x3b: {  	_ =	sdelay $0x3  }
.LBB1_6:
0x3c: {  	_ =	sfence.sel $0x180000  }
0x3d: {  	s2 =	simm.s32 $0x1;
	[bflag:$0x0] =	sbarrier.arrive $0xFFFF  }
0x3e: {  	s31 =	simm.s32 $0x2;
	[sflag:s2] =	ssyncpa.u1 $0x1  }
0x3f: {  	[sflag:s31] =	ssyncpa.u1 $0x1  }
0x40: {  	p0 =	sne.s32 s0, $0x0;
	_ =	strace $0x9000004A  }
0x41: {  	s0 =	sadd.s32 @!p0 $0x100000, s1;
	[bflag:$0x2] =	sbarrier.arrive $0xFFFF  }
0x42: {  	[sflag:s0] =	ssyncadd.tile.s32 @!p0 $0x1;
	_ =	shalt  }
.Lfunc_end1:
_tile_overlayer_lowered:
.L_overlay_start_2:
0x43: {  	(tag) =	ssettag $0x2  }
0x44: {  	s0 =	rddreg [dreg:$0x0];
	s2 =	stileid.u32  }
0x45: {  	s1 =	rddreg [dreg:$0x1];
	p0 =	sne.s32 s2, $0x0  }
0x46: {  	s3 =	rddreg [dreg:$0x2];
	[bflag:$0x3] =	sbarrier.arrive $0xFFFF;
	s2 =	simm.s32 @!p0 $0x1C01  }
0x47: {  	[timem:s3], [sflag:s2] =	dma.local @!p0 [hbm:s0], s1  }
0x48: {  	s0 =	simm.s32 @!p0 $0x1  }
0x49: {  	_ =	swait.ge @!p0 [sflag:s0], s1  }
0x4a: {  	s1 =	ssub.s32 @!p0 $0x0, s1;
	[sflag:s0] =	ssyncset.done @!p0 $0x0  }
0x4b: {  	[sflag:s0] =	ssyncadd.s32 @!p0 s1  }
0x4c: {  	[bflag:$0x3] =	sbarrier.arrive $0xFFFF  }
0x4d: {  	_ =	shalt  }

</sc_bundles>
